<compile_context>
chip_gen: v7x
topology: tpu7x:2x2x1
jax: 0.10.2.dev20260603
libtpu: 0.0.44.dev20260713+nightly
codegen_flags: <defaults>
</compile_context>

<pallas_src>
import functools

import jax
import jax.numpy as jnp
from jax import lax
from jax.experimental import pallas as pl
from jax.experimental.pallas import tpu as pltpu
from jax.experimental.pallas import tpu_sc as plsc

_NC = 2
_NS = 16
_CH = 128


def _safe_inv(d):
    return jnp.where(d > 0, 1.0 / jnp.where(d > 0, d, 1.0), 0.0)


@functools.lru_cache(maxsize=None)
def _make_sc_phase(n_rows, n_acc, width, c_sc0, c_sc1):
    mesh = plsc.VectorSubcoreMesh(core_axis_name="c", subcore_axis_name="s")
    n_per_tile = max(c_sc0, c_sc1)

    @functools.partial(
        pl.kernel,
        out_type=jax.ShapeDtypeStruct((_NC, n_rows, width), jnp.float32),
        mesh=mesh,
        scratch_types=[
            pltpu.VMEM((n_per_tile, _CH), jnp.int32),
            pltpu.VMEM((n_per_tile, _CH), jnp.int32),
            pltpu.VMEM((_CH, width), jnp.float32),
            pltpu.VMEM_SHARED((n_acc, width), jnp.float32),
            pltpu.SemaphoreType.DMA,
        ],
        compiler_params=pltpu.CompilerParams(use_tc_tiling_on_sc=False),
    )
    def phase(table, src_idx, dst_idx, zeros_hbm, out,
              idx_s, idx_d, rows, acc, gsem):
        cid = lax.axis_index("c")
        sid = lax.axis_index("s")
        zfull = -(-n_acc // (_NS * 8)) * 8
        zlast = n_acc - (_NS - 1) * zfull

        @pl.when(sid < _NS - 1)
        def _():
            pltpu.sync_copy(zeros_hbm.at[pl.ds(sid * zfull, zfull)],
                            acc.at[pl.ds(sid * zfull, zfull)])

        @pl.when(sid == _NS - 1)
        def _():
            pltpu.sync_copy(zeros_hbm.at[pl.ds((_NS - 1) * zfull, zlast)],
                            acc.at[pl.ds((_NS - 1) * zfull, zlast)])
        wid = cid * _NS + sid
        pltpu.sync_copy(src_idx.at[wid], idx_s)
        pltpu.sync_copy(dst_idx.at[wid], idx_d)
        plsc.subcore_barrier()

        def body(j, carry):
            pltpu.async_copy(table.at[idx_s.at[j]], rows, gsem).wait()
            pltpu.sync_copy(rows, acc.at[idx_d.at[j]], add=True)
            return carry

        count = jnp.where(cid == 0, c_sc0, c_sc1)
        lax.fori_loop(0, count, body, 0)

        plsc.subcore_barrier()
        full = -(-n_rows // (_NS * 8)) * 8
        last = n_rows - (_NS - 1) * full

        @pl.when(sid < _NS - 1)
        def _():
            pltpu.sync_copy(acc.at[pl.ds(sid * full, full)],
                            out.at[cid, pl.ds(sid * full, full)])

        @pl.when(sid == _NS - 1)
        def _():
            pltpu.sync_copy(acc.at[pl.ds((_NS - 1) * full, last)],
                            out.at[cid, pl.ds((_NS - 1) * full, last)])

    return phase


def _tc_matmul_ones(x, wp):
    m, k = x.shape
    wd = wp.shape[1]
    bm = 1000

    def body(x_ref, w_ref, o_ref):
        acc = jnp.dot(x_ref[...], w_ref[...], preferred_element_type=jnp.float32)
        col = lax.broadcasted_iota(jnp.int32, (1, wd), 1)
        o_ref[...] = acc + (col == 64).astype(jnp.float32)

    return pl.pallas_call(
        body,
        grid=(m // bm,),
        in_specs=[pl.BlockSpec((bm, k), lambda i: (i, 0)),
                  pl.BlockSpec((k, wd), lambda i: (0, 0))],
        out_specs=pl.BlockSpec((bm, wd), lambda i: (i, 0)),
        out_shape=jax.ShapeDtypeStruct((m, wd), jnp.float32),
    )(x, wp)


def _tc_scale(a0, a1, c0, c1):
    m, wd = a0.shape
    bm = 1000

    def body(a0r, a1r, c0r, c1r, o_ref):
        s = a0r[...] + a1r[...]
        inv = _safe_inv(c0r[:, 64:65] + c1r[:, 64:65])
        o_ref[...] = inv * s

    spec = pl.BlockSpec((bm, wd), lambda i: (i, 0))
    return pl.pallas_call(
        body,
        grid=(m // bm,),
        in_specs=[spec, spec, spec, spec],
        out_specs=spec,
        out_shape=jax.ShapeDtypeStruct((m, wd), jnp.float32),
    )(a0, a1, c0, c1)


def _tc_hidden(p0, p1, b1r, w2p):
    m, wd = p0.shape
    h = b1r.shape[1]
    bm = 1000

    def body(p0r, p1r, br, wr, o_ref):
        s = p0r[...] + p1r[...]
        inv = _safe_inv(s[:, 64:65])
        hid = jnp.maximum(inv * s[:, :h] + br[...], 0.0)
        o_ref[...] = jnp.dot(hid, wr[...], preferred_element_type=jnp.float32)

    return pl.pallas_call(
        body,
        grid=(m // bm,),
        in_specs=[pl.BlockSpec((bm, wd), lambda i: (i, 0)),
                  pl.BlockSpec((bm, wd), lambda i: (i, 0)),
                  pl.BlockSpec((1, h), lambda i: (0, 0)),
                  pl.BlockSpec((h, wd), lambda i: (0, 0))],
        out_specs=pl.BlockSpec((bm, wd), lambda i: (i, 0)),
        out_shape=jax.ShapeDtypeStruct((m, wd), jnp.float32),
    )(p0, p1, b1r, w2p)


def _tc_final(d0, d1, p0, p1, b2r):
    m, wd = p0.shape
    bm = 1000

    def body(d0r, d1r, p0r, p1r, br, o_ref):
        inv = _safe_inv(d0r[:, 64:65] + d1r[:, 64:65])
        o_ref[...] = inv * (p0r[...] + p1r[...]) + br[...]

    spec = pl.BlockSpec((bm, wd), lambda i: (i, 0))
    return pl.pallas_call(
        body,
        grid=(m // bm,),
        in_specs=[spec, spec, spec, spec,
                  pl.BlockSpec((1, wd), lambda i: (0, 0))],
        out_specs=spec,
        out_shape=jax.ShapeDtypeStruct((m, wd), jnp.float32),
    )(d0, d1, p0, p1, b2r)


def kernel(x, hyperedge_index, W1, b1, W2, b2):
    n, f = x.shape
    h = W1.shape[1]
    c = W2.shape[1]
    e = hyperedge_index.shape[1]
    wd = 80

    nwk = _NC * _NS
    c_pair = 2 * (-(-e // (nwk * _CH)))
    c_sc0 = int(round(c_pair * 2.0 / 3.0))
    c_sc1 = c_pair - c_sc0
    ep = _NS * c_pair * _CH
    n_acc = -(-(n + 1) // 8) * 8 + 504

    idx0 = hyperedge_index[0].astype(jnp.int32)
    idx1 = hyperedge_index[1].astype(jnp.int32)
    pad_s = jnp.zeros((ep - e,), jnp.int32)
    pad_d = n + jnp.arange(ep - e, dtype=jnp.int32) % (n_acc - n)
    def _slab(a, pad):
        flat = jnp.concatenate([a, pad]).reshape(-1, _CH)
        sc0 = flat[:_NS * c_sc0].reshape(_NS, c_sc0, _CH)
        sc1 = flat[_NS * c_sc0:].reshape(_NS, c_sc1, _CH)
        slab = jnp.zeros((nwk, c_sc0, _CH), jnp.int32)
        return slab.at[:_NS].set(sc0).at[_NS:, :c_sc1].set(sc1)

    src_a = _slab(idx0, pad_s)
    dst_a = _slab(idx1, pad_d)
    src_b = _slab(idx1, pad_s)
    dst_b = _slab(idx0, pad_d)

    w1p = jnp.pad(W1, ((0, 0), (0, wd - h)))
    w2p = jnp.pad(W2, ((0, 0), (0, wd - c)))
    b1r = b1.reshape(1, h)
    b2r = jnp.pad(b2, (0, wd - c)).reshape(1, wd)
    zeros = jnp.zeros((n_acc, wd), jnp.float32)

    phase = _make_sc_phase(n, n_acc, wd, c_sc0, c_sc1)

    xw1 = _tc_matmul_ones(x, w1p)
    s1 = phase(xw1, src_a, dst_a, zeros)
    e1 = _tc_scale(s1[0], s1[1], s1[0], s1[1])
    s2 = phase(e1, src_b, dst_b, zeros)
    xw2 = _tc_hidden(s2[0], s2[1], b1r, w2p)
    s3 = phase(xw2, src_a, dst_a, zeros)
    e2 = _tc_scale(s3[0], s3[1], s1[0], s1[1])
    s4 = phase(e2, src_b, dst_b, zeros)
    out = _tc_final(s2[0], s2[1], s4[0], s4[1], b2r)
    return out[:, :c]

# --- scband reference (transcript-rebuilt; emitter-appended) ---
"""Pipeline reference for scband-hyper-gcn-net-81106162418145 (READ-ONLY COPY).

The authoritative reference and input builder live on the scoring server;
editing this copy changes nothing except your own understanding.
"""

import jax, jax.numpy as jnp
import numpy as np


def _hconv(x, hidx, W, b):
    # Faithful HypergraphConv (use_attention=False, heads=1, concat=True,
    # hyperedge_weight=None -> ones).
    num_nodes = x.shape[0]
    num_edges = x.shape[0]
    xw = x @ W  # lin(x), bias=False
    hyperedge_weight = jnp.ones((num_edges,), dtype=x.dtype)
    # D: node degrees weighted by hyperedge weight
    D = jnp.zeros((num_nodes,), dtype=x.dtype).at[hidx[0]].add(hyperedge_weight[hidx[1]])
    D = jnp.where(D > 0, 1.0 / jnp.where(D > 0, D, 1.0), 0.0)
    # B: hyperedge degrees
    B = jnp.zeros((num_edges,), dtype=x.dtype).at[hidx[1]].add(jnp.ones((hidx.shape[1],), dtype=x.dtype))
    B = jnp.where(B > 0, 1.0 / jnp.where(B > 0, B, 1.0), 0.0)
    # propagate 1: nodes -> hyperedges, message = B_i * x_j, aggregate sum at hyperedge
    m1 = B[hidx[1]][:, None] * xw[hidx[0]]
    e = jnp.zeros((num_edges, xw.shape[1]), dtype=x.dtype).at[hidx[1]].add(m1)
    # propagate 2 (flipped): hyperedges -> nodes, message = D_i * e_j, aggregate sum at node
    m2 = D[hidx[0]][:, None] * e[hidx[1]]
    out = jnp.zeros((num_nodes, xw.shape[1]), dtype=x.dtype).at[hidx[0]].add(m2)
    return out + b


def setup_inputs(seed: int = 0) -> dict:
    key = jax.random.key(seed)
    k1, k2, k3, k4, k5, k6 = jax.random.split(key, 6)
    N, F, H, C, E = 10000, 128, 64, 70, 320000
    x = jax.random.normal(k1, (N, F), dtype=jnp.float32)
    hyperedge_index = jax.random.randint(k2, (2, E), 0, N)
    W1 = jax.random.normal(k3, (F, H), dtype=jnp.float32) * np.sqrt(2.0 / (F + H))
    b1 = jnp.zeros((H,), dtype=jnp.float32)
    W2 = jax.random.normal(k4, (H, C), dtype=jnp.float32) * np.sqrt(2.0 / (H + C))
    b2 = jnp.zeros((C,), dtype=jnp.float32)
    return {"x": x, "hyperedge_index": hyperedge_index, "W1": W1, "b1": b1, "W2": W2, "b2": b2}


def reference(x, hyperedge_index, W1, b1, W2, b2):
    h = _hconv(x, hyperedge_index, W1, b1)
    h = jax.nn.relu(h)
    # F.dropout with module in eval -> identity
    out = _hconv(h, hyperedge_index, W2, b2)
    return out

if __name__ == "__main__":
    import jax
    _d = setup_inputs()
    print(jax.jit(kernel)(*tuple(_d.values())))

</pallas_src>

<mosaic_0001>
#map = affine_map<(d0, d1) -> (0, 0)>
#map1 = affine_map<(d0, d1) -> (0, 0, 0)>
module attributes {stable_mosaic.version = 14 : i64} {
  func.func @phase(%arg0: i32, %arg1: i32, %arg2: memref<10000x80xf32, #tpu.memory_space<hbm>>, %arg3: memref<32x105x128xi32, #tpu.memory_space<hbm>>, %arg4: memref<32x105x128xi32, #tpu.memory_space<hbm>>, %arg5: memref<10512x80xf32, #tpu.memory_space<hbm>>, %arg6: memref<2x10000x80xf32, #tpu.memory_space<hbm>>, %arg7: memref<105x128xi32, #tpu.memory_space<vmem>>, %arg8: memref<105x128xi32, #tpu.memory_space<vmem>>, %arg9: memref<128x80xf32, #tpu.memory_space<vmem>>, %arg10: memref<10512x80xf32, #tpu.memory_space<vmem_shared>>, %arg11: memref<!tpu.dma_semaphore, #tpu.memory_space<semaphore_mem>>) attributes {dimension_semantics = [#tpu.dimension_semantics<core_parallel>, #tpu.dimension_semantics<subcore_parallel>], iteration_bounds = array<i64: 2, 16>, scalar_prefetch = 0 : i64, scratch_operands = 5 : i64, tpu.core_type = #tpu.core_type<sc_vector_subcore>, window_params = [{transform_indices = #map}, {transform_indices = #map1}, {transform_indices = #map1}, {transform_indices = #map}, {transform_indices = #map1}]} {
    %lt3A = arith.constant 15 : i32
    %lt3A_0 = arith.cmpi slt, %arg1, %lt3A : i32
    %convert_element_type3A = arith.extui %lt3A_0 : i1 to i32
    %cond3A = arith.constant 0 : i32
    %cond3A_1 = arith.cmpi ne, %convert_element_type3A, %cond3A : i32
    scf.if %cond3A_1 {
      %mul3A_30 = arith.constant 664 : i32
      %mul3A_31 = arith.muli %arg1, %mul3A_30 : i32
      %mul3A_32 = arith.constant 664 : i32
      %mul3A_33 = arith.muli %arg1, %mul3A_32 : i32
      "tpu.region"() ({
        %run_scoped3A = tpu.sem_alloc : memref<!tpu.dma_semaphore, #tpu.memory_space<semaphore_mem>>
        %dma_start3A = arith.constant 0 : i32
        %dma_start3A_34 = tpu.memref_slice %arg10[%mul3A_33, %dma_start3A] : memref<10512x80xf32, #tpu.memory_space<vmem_shared>> -> memref<664x80xf32, #tpu.memory_space<vmem_shared>>
        %dma_start3A_35 = arith.constant 0 : i32
        %dma_start3A_36 = tpu.memref_slice %arg5[%mul3A_31, %dma_start3A_35] : memref<10512x80xf32, #tpu.memory_space<hbm>> -> memref<664x80xf32, #tpu.memory_space<hbm>>
        tpu.enqueue_dma source(%dma_start3A_36 : memref<664x80xf32, #tpu.memory_space<hbm>>) target(%dma_start3A_34 : memref<664x80xf32, #tpu.memory_space<vmem_shared>>) target_semaphore(%run_scoped3A : memref<!tpu.dma_semaphore, #tpu.memory_space<semaphore_mem>>)
        %dma_wait3A = arith.constant 0 : i32
        %dma_wait3A_37 = tpu.memref_slice %arg10[%mul3A_33, %dma_wait3A] : memref<10512x80xf32, #tpu.memory_space<vmem_shared>> -> memref<664x80xf32, #tpu.memory_space<vmem_shared>>
        %dma_wait3A_38 = arith.constant 0 : i32
        %dma_wait3A_39 = tpu.memref_slice %arg5[%mul3A_31, %dma_wait3A_38] : memref<10512x80xf32, #tpu.memory_space<hbm>> -> memref<664x80xf32, #tpu.memory_space<hbm>>
        tpu.wait_dma2 semaphore(%run_scoped3A : memref<!tpu.dma_semaphore, #tpu.memory_space<semaphore_mem>>) src(%dma_wait3A_39 : memref<664x80xf32, #tpu.memory_space<hbm>>) dst(%dma_wait3A_37 : memref<664x80xf32, #tpu.memory_space<vmem_shared>>)
        tpu.yield
      }) : () -> ()
    } else {
    }
    %eq3A = arith.constant 15 : i32
    %eq3A_2 = arith.cmpi eq, %arg1, %eq3A : i32
    %convert_element_type3A_3 = arith.extui %eq3A_2 : i1 to i32
    %cond3A_4 = arith.constant 0 : i32
    %cond3A_5 = arith.cmpi ne, %convert_element_type3A_3, %cond3A_4 : i32
    scf.if %cond3A_5 {
      "tpu.region"() ({
        %run_scoped3A = tpu.sem_alloc : memref<!tpu.dma_semaphore, #tpu.memory_space<semaphore_mem>>
        %dma_start3A = arith.constant 9960 : i32
        %dma_start3A_30 = arith.constant 0 : i32
        %dma_start3A_31 = tpu.memref_slice %arg10[%dma_start3A, %dma_start3A_30] : memref<10512x80xf32, #tpu.memory_space<vmem_shared>> -> memref<552x80xf32, #tpu.memory_space<vmem_shared>>
        %dma_start3A_32 = arith.constant 9960 : i32
        %dma_start3A_33 = arith.constant 0 : i32
        %dma_start3A_34 = tpu.memref_slice %arg5[%dma_start3A_32, %dma_start3A_33] : memref<10512x80xf32, #tpu.memory_space<hbm>> -> memref<552x80xf32, #tpu.memory_space<hbm>>
        tpu.enqueue_dma source(%dma_start3A_34 : memref<552x80xf32, #tpu.memory_space<hbm>>) target(%dma_start3A_31 : memref<552x80xf32, #tpu.memory_space<vmem_shared>>) target_semaphore(%run_scoped3A : memref<!tpu.dma_semaphore, #tpu.memory_space<semaphore_mem>>)
        %dma_wait3A = arith.constant 9960 : i32
        %dma_wait3A_35 = arith.constant 0 : i32
        %dma_wait3A_36 = tpu.memref_slice %arg10[%dma_wait3A, %dma_wait3A_35] : memref<10512x80xf32, #tpu.memory_space<vmem_shared>> -> memref<552x80xf32, #tpu.memory_space<vmem_shared>>
        %dma_wait3A_37 = arith.constant 9960 : i32
        %dma_wait3A_38 = arith.constant 0 : i32
        %dma_wait3A_39 = tpu.memref_slice %arg5[%dma_wait3A_37, %dma_wait3A_38] : memref<10512x80xf32, #tpu.memory_space<hbm>> -> memref<552x80xf32, #tpu.memory_space<hbm>>
        tpu.wait_dma2 semaphore(%run_scoped3A : memref<!tpu.dma_semaphore, #tpu.memory_space<semaphore_mem>>) src(%dma_wait3A_39 : memref<552x80xf32, #tpu.memory_space<hbm>>) dst(%dma_wait3A_36 : memref<552x80xf32, #tpu.memory_space<vmem_shared>>)
        tpu.yield
      }) : () -> ()
    } else {
    }
    %mul3A = arith.constant 16 : i32
    %mul3A_6 = arith.muli %arg0, %mul3A : i32
    %add3A = arith.addi %mul3A_6, %arg1 : i32
    "tpu.region"() ({
      %run_scoped3A = tpu.sem_alloc : memref<!tpu.dma_semaphore, #tpu.memory_space<semaphore_mem>>
      %dma_start3A = arith.constant 0 : i32
      %dma_start3A_30 = arith.constant 0 : i32
      %dma_start3A_31 = tpu.memref_slice %arg3[%add3A, %dma_start3A, %dma_start3A_30] : memref<32x105x128xi32, #tpu.memory_space<hbm>> -> memref<1x105x128xi32, #tpu.memory_space<hbm>>
      %dma_start3A_32 = tpu.memref_squeeze %dma_start3A_31 : memref<1x105x128xi32, #tpu.memory_space<hbm>> -> memref<105x128xi32, #tpu.memory_space<hbm>>
      %dma_start3A_33 = arith.constant 0 : i32
      %dma_start3A_34 = arith.constant 0 : i32
      %dma_start3A_35 = tpu.memref_slice %arg3[%add3A, %dma_start3A_33, %dma_start3A_34] : memref<32x105x128xi32, #tpu.memory_space<hbm>> -> memref<1x105x128xi32, #tpu.memory_space<hbm>>
      %dma_start3A_36 = tpu.memref_squeeze %dma_start3A_35 : memref<1x105x128xi32, #tpu.memory_space<hbm>> -> memref<105x128xi32, #tpu.memory_space<hbm>>
      tpu.enqueue_dma source(%dma_start3A_36 : memref<105x128xi32, #tpu.memory_space<hbm>>) target(%arg7 : memref<105x128xi32, #tpu.memory_space<vmem>>) target_semaphore(%run_scoped3A : memref<!tpu.dma_semaphore, #tpu.memory_space<semaphore_mem>>)
      %dma_wait3A = arith.constant 0 : i32
      %dma_wait3A_37 = arith.constant 0 : i32
      %dma_wait3A_38 = tpu.memref_slice %arg3[%add3A, %dma_wait3A, %dma_wait3A_37] : memref<32x105x128xi32, #tpu.memory_space<hbm>> -> memref<1x105x128xi32, #tpu.memory_space<hbm>>
      %dma_wait3A_39 = tpu.memref_squeeze %dma_wait3A_38 : memref<1x105x128xi32, #tpu.memory_space<hbm>> -> memref<105x128xi32, #tpu.memory_space<hbm>>
      %dma_wait3A_40 = arith.constant 0 : i32
      %dma_wait3A_41 = arith.constant 0 : i32
      %dma_wait3A_42 = tpu.memref_slice %arg3[%add3A, %dma_wait3A_40, %dma_wait3A_41] : memref<32x105x128xi32, #tpu.memory_space<hbm>> -> memref<1x105x128xi32, #tpu.memory_space<hbm>>
      %dma_wait3A_43 = tpu.memref_squeeze %dma_wait3A_42 : memref<1x105x128xi32, #tpu.memory_space<hbm>> -> memref<105x128xi32, #tpu.memory_space<hbm>>
      tpu.wait_dma2 semaphore(%run_scoped3A : memref<!tpu.dma_semaphore, #tpu.memory_space<semaphore_mem>>) src(%dma_wait3A_43 : memref<105x128xi32, #tpu.memory_space<hbm>>) dst(%arg7 : memref<105x128xi32, #tpu.memory_space<vmem>>)
      tpu.yield
    }) : () -> ()
    "tpu.region"() ({
      %run_scoped3A = tpu.sem_alloc : memref<!tpu.dma_semaphore, #tpu.memory_space<semaphore_mem>>
      %dma_start3A = arith.constant 0 : i32
      %dma_start3A_30 = arith.constant 0 : i32
      %dma_start3A_31 = tpu.memref_slice %arg4[%add3A, %dma_start3A, %dma_start3A_30] : memref<32x105x128xi32, #tpu.memory_space<hbm>> -> memref<1x105x128xi32, #tpu.memory_space<hbm>>
      %dma_start3A_32 = tpu.memref_squeeze %dma_start3A_31 : memref<1x105x128xi32, #tpu.memory_space<hbm>> -> memref<105x128xi32, #tpu.memory_space<hbm>>
      %dma_start3A_33 = arith.constant 0 : i32
      %dma_start3A_34 = arith.constant 0 : i32
      %dma_start3A_35 = tpu.memref_slice %arg4[%add3A, %dma_start3A_33, %dma_start3A_34] : memref<32x105x128xi32, #tpu.memory_space<hbm>> -> memref<1x105x128xi32, #tpu.memory_space<hbm>>
      %dma_start3A_36 = tpu.memref_squeeze %dma_start3A_35 : memref<1x105x128xi32, #tpu.memory_space<hbm>> -> memref<105x128xi32, #tpu.memory_space<hbm>>
      tpu.enqueue_dma source(%dma_start3A_36 : memref<105x128xi32, #tpu.memory_space<hbm>>) target(%arg8 : memref<105x128xi32, #tpu.memory_space<vmem>>) target_semaphore(%run_scoped3A : memref<!tpu.dma_semaphore, #tpu.memory_space<semaphore_mem>>)
      %dma_wait3A = arith.constant 0 : i32
      %dma_wait3A_37 = arith.constant 0 : i32
      %dma_wait3A_38 = tpu.memref_slice %arg4[%add3A, %dma_wait3A, %dma_wait3A_37] : memref<32x105x128xi32, #tpu.memory_space<hbm>> -> memref<1x105x128xi32, #tpu.memory_space<hbm>>
      %dma_wait3A_39 = tpu.memref_squeeze %dma_wait3A_38 : memref<1x105x128xi32, #tpu.memory_space<hbm>> -> memref<105x128xi32, #tpu.memory_space<hbm>>
      %dma_wait3A_40 = arith.constant 0 : i32
      %dma_wait3A_41 = arith.constant 0 : i32
      %dma_wait3A_42 = tpu.memref_slice %arg4[%add3A, %dma_wait3A_40, %dma_wait3A_41] : memref<32x105x128xi32, #tpu.memory_space<hbm>> -> memref<1x105x128xi32, #tpu.memory_space<hbm>>
      %dma_wait3A_43 = tpu.memref_squeeze %dma_wait3A_42 : memref<1x105x128xi32, #tpu.memory_space<hbm>> -> memref<105x128xi32, #tpu.memory_space<hbm>>
      tpu.wait_dma2 semaphore(%run_scoped3A : memref<!tpu.dma_semaphore, #tpu.memory_space<semaphore_mem>>) src(%dma_wait3A_43 : memref<105x128xi32, #tpu.memory_space<hbm>>) dst(%arg8 : memref<105x128xi32, #tpu.memory_space<vmem>>)
      tpu.yield
    }) : () -> ()
    %barrier3A = arith.constant 0 : index
    tpu.barrier barrier_id(%barrier3A)
    %eq3A_7 = arith.constant 0 : i32
    %eq3A_8 = arith.cmpi eq, %arg0, %eq3A_7 : i32
    %jit3A = arith.constant 105 : i32
    %jit3A_9 = arith.constant 53 : i32
    %select_n3A = arith.select %eq3A_8, %jit3A, %jit3A_9 : i32
    %while3A = arith.constant 0 : i32
    %while3A_10 = arith.constant 0 : i32
    %while3A_11 = arith.subi %select_n3A, %while3A_10 : i32
    %while3A_12 = arith.addi %while3A_10, %while3A_11 : i32
    %while3A_13 = arith.constant 1 : i32
    %while3A_14 = arith.divsi %while3A_11, %while3A_13 : i32
    %while3A_15 = arith.muli %while3A_14, %while3A_13 : i32
    %while3A_16 = arith.addi %while3A_10, %while3A_15 : i32
    %while3A_17 = arith.constant 1 : i32
    scf.for %while3A_30 = %while3A_10 to %while3A_16 step %while3A_17  : i32 {
      %dma_start3A = arith.constant 0 : i32
      %dma_start3A_31 = tpu.memref_slice %arg7[%while3A_30, %dma_start3A] : memref<105x128xi32, #tpu.memory_space<vmem>> -> memref<1x128xi32, #tpu.memory_space<vmem>>
      %dma_start3A_32 = tpu.memref_squeeze %dma_start3A_31 : memref<1x128xi32, #tpu.memory_space<vmem>> -> memref<128xi32, #tpu.memory_space<vmem>>
      %dma_start3A_33 = arith.constant 0 : i32
      %dma_start3A_34 = arith.constant 0 : i32
      %dma_start3A_35 = tpu.memref_slice %arg2[%dma_start3A_33, %dma_start3A_34] : memref<10000x80xf32, #tpu.memory_space<hbm>> -> memref<10000x80xf32, #tpu.memory_space<hbm>>
      tpu.enqueue_indirect_dma source(%dma_start3A_35 : memref<10000x80xf32, #tpu.memory_space<hbm>>) target(%arg9 : memref<128x80xf32, #tpu.memory_space<vmem>>) offsets(%dma_start3A_32 : memref<128xi32, #tpu.memory_space<vmem>>) semaphore(%arg11 : memref<!tpu.dma_semaphore, #tpu.memory_space<semaphore_mem>>)
      %dma_wait3A = arith.constant 0 : i32
      %dma_wait3A_36 = tpu.memref_slice %arg7[%while3A_30, %dma_wait3A] : memref<105x128xi32, #tpu.memory_space<vmem>> -> memref<1x128xi32, #tpu.memory_space<vmem>>
      %dma_wait3A_37 = tpu.memref_squeeze %dma_wait3A_36 : memref<1x128xi32, #tpu.memory_space<vmem>> -> memref<128xi32, #tpu.memory_space<vmem>>
      %dma_wait3A_38 = arith.constant 0 : i32
      %dma_wait3A_39 = arith.constant 0 : i32
      %dma_wait3A_40 = tpu.memref_slice %arg2[%dma_wait3A_38, %dma_wait3A_39] : memref<10000x80xf32, #tpu.memory_space<hbm>> -> memref<10000x80xf32, #tpu.memory_space<hbm>>
      tpu.wait_indirect_dma semaphore(%arg11 : memref<!tpu.dma_semaphore, #tpu.memory_space<semaphore_mem>>) src(%dma_wait3A_40 : memref<10000x80xf32, #tpu.memory_space<hbm>>) dst(%arg9 : memref<128x80xf32, #tpu.memory_space<vmem>>)
      "tpu.region"() ({
        %run_scoped3A = tpu.sem_alloc : memref<!tpu.dma_semaphore, #tpu.memory_space<semaphore_mem>>
        %dma_start3A_41 = arith.constant 0 : i32
        %dma_start3A_42 = tpu.memref_slice %arg8[%while3A_30, %dma_start3A_41] : memref<105x128xi32, #tpu.memory_space<vmem>> -> memref<1x128xi32, #tpu.memory_space<vmem>>
        %dma_start3A_43 = tpu.memref_squeeze %dma_start3A_42 : memref<1x128xi32, #tpu.memory_space<vmem>> -> memref<128xi32, #tpu.memory_space<vmem>>
        %dma_start3A_44 = arith.constant 0 : i32
        %dma_start3A_45 = arith.constant 0 : i32
        %dma_start3A_46 = tpu.memref_slice %arg10[%dma_start3A_44, %dma_start3A_45] : memref<10512x80xf32, #tpu.memory_space<vmem_shared>> -> memref<10512x80xf32, #tpu.memory_space<vmem_shared>>
        tpu.enqueue_indirect_dma source(%arg9 : memref<128x80xf32, #tpu.memory_space<vmem>>) target(%dma_start3A_46 : memref<10512x80xf32, #tpu.memory_space<vmem_shared>>) offsets(%dma_start3A_43 : memref<128xi32, #tpu.memory_space<vmem>>) semaphore(%run_scoped3A : memref<!tpu.dma_semaphore, #tpu.memory_space<semaphore_mem>>) {add = true}
        %dma_wait3A_47 = arith.constant 0 : i32
        %dma_wait3A_48 = tpu.memref_slice %arg8[%while3A_30, %dma_wait3A_47] : memref<105x128xi32, #tpu.memory_space<vmem>> -> memref<1x128xi32, #tpu.memory_space<vmem>>
        %dma_wait3A_49 = tpu.memref_squeeze %dma_wait3A_48 : memref<1x128xi32, #tpu.memory_space<vmem>> -> memref<128xi32, #tpu.memory_space<vmem>>
        %dma_wait3A_50 = arith.constant 0 : i32
        %dma_wait3A_51 = arith.constant 0 : i32
        %dma_wait3A_52 = tpu.memref_slice %arg10[%dma_wait3A_50, %dma_wait3A_51] : memref<10512x80xf32, #tpu.memory_space<vmem_shared>> -> memref<10512x80xf32, #tpu.memory_space<vmem_shared>>
        tpu.wait_indirect_dma semaphore(%run_scoped3A : memref<!tpu.dma_semaphore, #tpu.memory_space<semaphore_mem>>) src(%arg9 : memref<128x80xf32, #tpu.memory_space<vmem>>) dst(%dma_wait3A_52 : memref<10512x80xf32, #tpu.memory_space<vmem_shared>>)
        tpu.yield
      }) : () -> ()
    }
    %while3A_18 = arith.constant 1 : i32
    scf.for %while3A_30 = %while3A_16 to %while3A_12 step %while3A_18  : i32 {
      %dma_start3A = arith.constant 0 : i32
      %dma_start3A_31 = tpu.memref_slice %arg7[%while3A_30, %dma_start3A] : memref<105x128xi32, #tpu.memory_space<vmem>> -> memref<1x128xi32, #tpu.memory_space<vmem>>
      %dma_start3A_32 = tpu.memref_squeeze %dma_start3A_31 : memref<1x128xi32, #tpu.memory_space<vmem>> -> memref<128xi32, #tpu.memory_space<vmem>>
      %dma_start3A_33 = arith.constant 0 : i32
      %dma_start3A_34 = arith.constant 0 : i32
      %dma_start3A_35 = tpu.memref_slice %arg2[%dma_start3A_33, %dma_start3A_34] : memref<10000x80xf32, #tpu.memory_space<hbm>> -> memref<10000x80xf32, #tpu.memory_space<hbm>>
      tpu.enqueue_indirect_dma source(%dma_start3A_35 : memref<10000x80xf32, #tpu.memory_space<hbm>>) target(%arg9 : memref<128x80xf32, #tpu.memory_space<vmem>>) offsets(%dma_start3A_32 : memref<128xi32, #tpu.memory_space<vmem>>) semaphore(%arg11 : memref<!tpu.dma_semaphore, #tpu.memory_space<semaphore_mem>>)
      %dma_wait3A = arith.constant 0 : i32
      %dma_wait3A_36 = tpu.memref_slice %arg7[%while3A_30, %dma_wait3A] : memref<105x128xi32, #tpu.memory_space<vmem>> -> memref<1x128xi32, #tpu.memory_space<vmem>>
      %dma_wait3A_37 = tpu.memref_squeeze %dma_wait3A_36 : memref<1x128xi32, #tpu.memory_space<vmem>> -> memref<128xi32, #tpu.memory_space<vmem>>
      %dma_wait3A_38 = arith.constant 0 : i32
      %dma_wait3A_39 = arith.constant 0 : i32
      %dma_wait3A_40 = tpu.memref_slice %arg2[%dma_wait3A_38, %dma_wait3A_39] : memref<10000x80xf32, #tpu.memory_space<hbm>> -> memref<10000x80xf32, #tpu.memory_space<hbm>>
      tpu.wait_indirect_dma semaphore(%arg11 : memref<!tpu.dma_semaphore, #tpu.memory_space<semaphore_mem>>) src(%dma_wait3A_40 : memref<10000x80xf32, #tpu.memory_space<hbm>>) dst(%arg9 : memref<128x80xf32, #tpu.memory_space<vmem>>)
      "tpu.region"() ({
        %run_scoped3A = tpu.sem_alloc : memref<!tpu.dma_semaphore, #tpu.memory_space<semaphore_mem>>
        %dma_start3A_41 = arith.constant 0 : i32
        %dma_start3A_42 = tpu.memref_slice %arg8[%while3A_30, %dma_start3A_41] : memref<105x128xi32, #tpu.memory_space<vmem>> -> memref<1x128xi32, #tpu.memory_space<vmem>>
        %dma_start3A_43 = tpu.memref_squeeze %dma_start3A_42 : memref<1x128xi32, #tpu.memory_space<vmem>> -> memref<128xi32, #tpu.memory_space<vmem>>
        %dma_start3A_44 = arith.constant 0 : i32
        %dma_start3A_45 = arith.constant 0 : i32
        %dma_start3A_46 = tpu.memref_slice %arg10[%dma_start3A_44, %dma_start3A_45] : memref<10512x80xf32, #tpu.memory_space<vmem_shared>> -> memref<10512x80xf32, #tpu.memory_space<vmem_shared>>
        tpu.enqueue_indirect_dma source(%arg9 : memref<128x80xf32, #tpu.memory_space<vmem>>) target(%dma_start3A_46 : memref<10512x80xf32, #tpu.memory_space<vmem_shared>>) offsets(%dma_start3A_43 : memref<128xi32, #tpu.memory_space<vmem>>) semaphore(%run_scoped3A : memref<!tpu.dma_semaphore, #tpu.memory_space<semaphore_mem>>) {add = true}
        %dma_wait3A_47 = arith.constant 0 : i32
        %dma_wait3A_48 = tpu.memref_slice %arg8[%while3A_30, %dma_wait3A_47] : memref<105x128xi32, #tpu.memory_space<vmem>> -> memref<1x128xi32, #tpu.memory_space<vmem>>
        %dma_wait3A_49 = tpu.memref_squeeze %dma_wait3A_48 : memref<1x128xi32, #tpu.memory_space<vmem>> -> memref<128xi32, #tpu.memory_space<vmem>>
        %dma_wait3A_50 = arith.constant 0 : i32
        %dma_wait3A_51 = arith.constant 0 : i32
        %dma_wait3A_52 = tpu.memref_slice %arg10[%dma_wait3A_50, %dma_wait3A_51] : memref<10512x80xf32, #tpu.memory_space<vmem_shared>> -> memref<10512x80xf32, #tpu.memory_space<vmem_shared>>
        tpu.wait_indirect_dma semaphore(%run_scoped3A : memref<!tpu.dma_semaphore, #tpu.memory_space<semaphore_mem>>) src(%arg9 : memref<128x80xf32, #tpu.memory_space<vmem>>) dst(%dma_wait3A_52 : memref<10512x80xf32, #tpu.memory_space<vmem_shared>>)
        tpu.yield
      }) : () -> ()
    }
    %barrier3A_19 = arith.constant 0 : index
    tpu.barrier barrier_id(%barrier3A_19)
    %lt3A_20 = arith.constant 15 : i32
    %lt3A_21 = arith.cmpi slt, %arg1, %lt3A_20 : i32
    %convert_element_type3A_22 = arith.extui %lt3A_21 : i1 to i32
    %cond3A_23 = arith.constant 0 : i32
    %cond3A_24 = arith.cmpi ne, %convert_element_type3A_22, %cond3A_23 : i32
    scf.if %cond3A_24 {
      %mul3A_30 = arith.constant 632 : i32
      %mul3A_31 = arith.muli %arg1, %mul3A_30 : i32
      %mul3A_32 = arith.constant 632 : i32
      %mul3A_33 = arith.muli %arg1, %mul3A_32 : i32
      "tpu.region"() ({
        %run_scoped3A = tpu.sem_alloc : memref<!tpu.dma_semaphore, #tpu.memory_space<semaphore_mem>>
        %dma_start3A = arith.constant 0 : i32
        %dma_start3A_34 = tpu.memref_slice %arg6[%arg0, %mul3A_33, %dma_start3A] : memref<2x10000x80xf32, #tpu.memory_space<hbm>> -> memref<1x632x80xf32, #tpu.memory_space<hbm>>
        %dma_start3A_35 = tpu.memref_squeeze %dma_start3A_34 : memref<1x632x80xf32, #tpu.memory_space<hbm>> -> memref<632x80xf32, #tpu.memory_space<hbm>>
        %dma_start3A_36 = arith.constant 0 : i32
        %dma_start3A_37 = tpu.memref_slice %arg10[%mul3A_31, %dma_start3A_36] : memref<10512x80xf32, #tpu.memory_space<vmem_shared>> -> memref<632x80xf32, #tpu.memory_space<vmem_shared>>
        tpu.enqueue_dma source(%dma_start3A_37 : memref<632x80xf32, #tpu.memory_space<vmem_shared>>) target(%dma_start3A_35 : memref<632x80xf32, #tpu.memory_space<hbm>>) target_semaphore(%run_scoped3A : memref<!tpu.dma_semaphore, #tpu.memory_space<semaphore_mem>>)
        %dma_wait3A = arith.constant 0 : i32
        %dma_wait3A_38 = tpu.memref_slice %arg6[%arg0, %mul3A_33, %dma_wait3A] : memref<2x10000x80xf32, #tpu.memory_space<hbm>> -> memref<1x632x80xf32, #tpu.memory_space<hbm>>
        %dma_wait3A_39 = tpu.memref_squeeze %dma_wait3A_38 : memref<1x632x80xf32, #tpu.memory_space<hbm>> -> memref<632x80xf32, #tpu.memory_space<hbm>>
        %dma_wait3A_40 = arith.constant 0 : i32
        %dma_wait3A_41 = tpu.memref_slice %arg10[%mul3A_31, %dma_wait3A_40] : memref<10512x80xf32, #tpu.memory_space<vmem_shared>> -> memref<632x80xf32, #tpu.memory_space<vmem_shared>>
        tpu.wait_dma2 semaphore(%run_scoped3A : memref<!tpu.dma_semaphore, #tpu.memory_space<semaphore_mem>>) src(%dma_wait3A_41 : memref<632x80xf32, #tpu.memory_space<vmem_shared>>) dst(%dma_wait3A_39 : memref<632x80xf32, #tpu.memory_space<hbm>>)
        tpu.yield
      }) : () -> ()
    } else {
    }
    %eq3A_25 = arith.constant 15 : i32
    %eq3A_26 = arith.cmpi eq, %arg1, %eq3A_25 : i32
    %convert_element_type3A_27 = arith.extui %eq3A_26 : i1 to i32
    %cond3A_28 = arith.constant 0 : i32
    %cond3A_29 = arith.cmpi ne, %convert_element_type3A_27, %cond3A_28 : i32
    scf.if %cond3A_29 {
      "tpu.region"() ({
        %run_scoped3A = tpu.sem_alloc : memref<!tpu.dma_semaphore, #tpu.memory_space<semaphore_mem>>
        %dma_start3A = arith.constant 9480 : i32
        %dma_start3A_30 = arith.constant 0 : i32
        %dma_start3A_31 = tpu.memref_slice %arg6[%arg0, %dma_start3A, %dma_start3A_30] : memref<2x10000x80xf32, #tpu.memory_space<hbm>> -> memref<1x520x80xf32, #tpu.memory_space<hbm>>
        %dma_start3A_32 = tpu.memref_squeeze %dma_start3A_31 : memref<1x520x80xf32, #tpu.memory_space<hbm>> -> memref<520x80xf32, #tpu.memory_space<hbm>>
        %dma_start3A_33 = arith.constant 9480 : i32
        %dma_start3A_34 = arith.constant 0 : i32
        %dma_start3A_35 = tpu.memref_slice %arg10[%dma_start3A_33, %dma_start3A_34] : memref<10512x80xf32, #tpu.memory_space<vmem_shared>> -> memref<520x80xf32, #tpu.memory_space<vmem_shared>>
        tpu.enqueue_dma source(%dma_start3A_35 : memref<520x80xf32, #tpu.memory_space<vmem_shared>>) target(%dma_start3A_32 : memref<520x80xf32, #tpu.memory_space<hbm>>) target_semaphore(%run_scoped3A : memref<!tpu.dma_semaphore, #tpu.memory_space<semaphore_mem>>)
        %dma_wait3A = arith.constant 9480 : i32
        %dma_wait3A_36 = arith.constant 0 : i32
        %dma_wait3A_37 = tpu.memref_slice %arg6[%arg0, %dma_wait3A, %dma_wait3A_36] : memref<2x10000x80xf32, #tpu.memory_space<hbm>> -> memref<1x520x80xf32, #tpu.memory_space<hbm>>
        %dma_wait3A_38 = tpu.memref_squeeze %dma_wait3A_37 : memref<1x520x80xf32, #tpu.memory_space<hbm>> -> memref<520x80xf32, #tpu.memory_space<hbm>>
        %dma_wait3A_39 = arith.constant 9480 : i32
        %dma_wait3A_40 = arith.constant 0 : i32
        %dma_wait3A_41 = tpu.memref_slice %arg10[%dma_wait3A_39, %dma_wait3A_40] : memref<10512x80xf32, #tpu.memory_space<vmem_shared>> -> memref<520x80xf32, #tpu.memory_space<vmem_shared>>
        tpu.wait_dma2 semaphore(%run_scoped3A : memref<!tpu.dma_semaphore, #tpu.memory_space<semaphore_mem>>) src(%dma_wait3A_41 : memref<520x80xf32, #tpu.memory_space<vmem_shared>>) dst(%dma_wait3A_38 : memref<520x80xf32, #tpu.memory_space<hbm>>)
        tpu.yield
      }) : () -> ()
    } else {
    }
    return
  }
}

#map = affine_map<(d0, d1) -> (0, 0)>
#map1 = affine_map<(d0, d1) -> (0, 0, 0)>
module attributes {stable_mosaic.version = 14 : i64} {
  func.func @phase(%arg0: i32, %arg1: i32, %arg2: memref<10000x80xf32, #tpu.memory_space<hbm>>, %arg3: memref<32x105x128xi32, #tpu.memory_space<hbm>>, %arg4: memref<32x105x128xi32, #tpu.memory_space<hbm>>, %arg5: memref<10512x80xf32, #tpu.memory_space<hbm>>, %arg6: memref<2x10000x80xf32, #tpu.memory_space<hbm>>, %arg7: memref<105x128xi32, #tpu.memory_space<vmem>>, %arg8: memref<105x128xi32, #tpu.memory_space<vmem>>, %arg9: memref<128x80xf32, #tpu.memory_space<vmem>>, %arg10: memref<10512x80xf32, #tpu.memory_space<vmem_shared>>, %arg11: memref<!tpu.dma_semaphore, #tpu.memory_space<semaphore_mem>>) attributes {dimension_semantics = [#tpu.dimension_semantics<core_parallel>, #tpu.dimension_semantics<subcore_parallel>], iteration_bounds = array<i64: 2, 16>, scalar_prefetch = 0 : i64, scratch_operands = 5 : i64, tpu.core_type = #tpu.core_type<sc_vector_subcore>, window_params = [{transform_indices = #map}, {transform_indices = #map1}, {transform_indices = #map1}, {transform_indices = #map}, {transform_indices = #map1}]} {
    %lt3A = arith.constant 15 : i32
    %lt3A_0 = arith.cmpi slt, %arg1, %lt3A : i32
    %convert_element_type3A = arith.extui %lt3A_0 : i1 to i32
    %cond3A = arith.constant 0 : i32
    %cond3A_1 = arith.cmpi ne, %convert_element_type3A, %cond3A : i32
    scf.if %cond3A_1 {
      %mul3A_30 = arith.constant 664 : i32
      %mul3A_31 = arith.muli %arg1, %mul3A_30 : i32
      %mul3A_32 = arith.constant 664 : i32
      %mul3A_33 = arith.muli %arg1, %mul3A_32 : i32
      "tpu.region"() ({
        %run_scoped3A = tpu.sem_alloc : memref<!tpu.dma_semaphore, #tpu.memory_space<semaphore_mem>>
        %dma_start3A = arith.constant 0 : i32
        %dma_start3A_34 = tpu.memref_slice %arg10[%mul3A_33, %dma_start3A] : memref<10512x80xf32, #tpu.memory_space<vmem_shared>> -> memref<664x80xf32, #tpu.memory_space<vmem_shared>>
        %dma_start3A_35 = arith.constant 0 : i32
        %dma_start3A_36 = tpu.memref_slice %arg5[%mul3A_31, %dma_start3A_35] : memref<10512x80xf32, #tpu.memory_space<hbm>> -> memref<664x80xf32, #tpu.memory_space<hbm>>
        tpu.enqueue_dma source(%dma_start3A_36 : memref<664x80xf32, #tpu.memory_space<hbm>>) target(%dma_start3A_34 : memref<664x80xf32, #tpu.memory_space<vmem_shared>>) target_semaphore(%run_scoped3A : memref<!tpu.dma_semaphore, #tpu.memory_space<semaphore_mem>>)
        %dma_wait3A = arith.constant 0 : i32
        %dma_wait3A_37 = tpu.memref_slice %arg10[%mul3A_33, %dma_wait3A] : memref<10512x80xf32, #tpu.memory_space<vmem_shared>> -> memref<664x80xf32, #tpu.memory_space<vmem_shared>>
        %dma_wait3A_38 = arith.constant 0 : i32
        %dma_wait3A_39 = tpu.memref_slice %arg5[%mul3A_31, %dma_wait3A_38] : memref<10512x80xf32, #tpu.memory_space<hbm>> -> memref<664x80xf32, #tpu.memory_space<hbm>>
        tpu.wait_dma2 semaphore(%run_scoped3A : memref<!tpu.dma_semaphore, #tpu.memory_space<semaphore_mem>>) src(%dma_wait3A_39 : memref<664x80xf32, #tpu.memory_space<hbm>>) dst(%dma_wait3A_37 : memref<664x80xf32, #tpu.memory_space<vmem_shared>>)
        tpu.yield
      }) : () -> ()
    } else {
    }
    %eq3A = arith.constant 15 : i32
    %eq3A_2 = arith.cmpi eq, %arg1, %eq3A : i32
    %convert_element_type3A_3 = arith.extui %eq3A_2 : i1 to i32
    %cond3A_4 = arith.constant 0 : i32
    %cond3A_5 = arith.cmpi ne, %convert_element_type3A_3, %cond3A_4 : i32
    scf.if %cond3A_5 {
      "tpu.region"() ({
        %run_scoped3A = tpu.sem_alloc : memref<!tpu.dma_semaphore, #tpu.memory_space<semaphore_mem>>
        %dma_start3A = arith.constant 9960 : i32
        %dma_start3A_30 = arith.constant 0 : i32
        %dma_start3A_31 = tpu.memref_slice %arg10[%dma_start3A, %dma_start3A_30] : memref<10512x80xf32, #tpu.memory_space<vmem_shared>> -> memref<552x80xf32, #tpu.memory_space<vmem_shared>>
        %dma_start3A_32 = arith.constant 9960 : i32
        %dma_start3A_33 = arith.constant 0 : i32
        %dma_start3A_34 = tpu.memref_slice %arg5[%dma_start3A_32, %dma_start3A_33] : memref<10512x80xf32, #tpu.memory_space<hbm>> -> memref<552x80xf32, #tpu.memory_space<hbm>>
        tpu.enqueue_dma source(%dma_start3A_34 : memref<552x80xf32, #tpu.memory_space<hbm>>) target(%dma_start3A_31 : memref<552x80xf32, #tpu.memory_space<vmem_shared>>) target_semaphore(%run_scoped3A : memref<!tpu.dma_semaphore, #tpu.memory_space<semaphore_mem>>)
        %dma_wait3A = arith.constant 9960 : i32
        %dma_wait3A_35 = arith.constant 0 : i32
        %dma_wait3A_36 = tpu.memref_slice %arg10[%dma_wait3A, %dma_wait3A_35] : memref<10512x80xf32, #tpu.memory_space<vmem_shared>> -> memref<552x80xf32, #tpu.memory_space<vmem_shared>>
        %dma_wait3A_37 = arith.constant 9960 : i32
        %dma_wait3A_38 = arith.constant 0 : i32
        %dma_wait3A_39 = tpu.memref_slice %arg5[%dma_wait3A_37, %dma_wait3A_38] : memref<10512x80xf32, #tpu.memory_space<hbm>> -> memref<552x80xf32, #tpu.memory_space<hbm>>
        tpu.wait_dma2 semaphore(%run_scoped3A : memref<!tpu.dma_semaphore, #tpu.memory_space<semaphore_mem>>) src(%dma_wait3A_39 : memref<552x80xf32, #tpu.memory_space<hbm>>) dst(%dma_wait3A_36 : memref<552x80xf32, #tpu.memory_space<vmem_shared>>)
        tpu.yield
      }) : () -> ()
    } else {
    }
    %mul3A = arith.constant 16 : i32
    %mul3A_6 = arith.muli %arg0, %mul3A : i32
    %add3A = arith.addi %mul3A_6, %arg1 : i32
    "tpu.region"() ({
      %run_scoped3A = tpu.sem_alloc : memref<!tpu.dma_semaphore, #tpu.memory_space<semaphore_mem>>
      %dma_start3A = arith.constant 0 : i32
      %dma_start3A_30 = arith.constant 0 : i32
      %dma_start3A_31 = tpu.memref_slice %arg3[%add3A, %dma_start3A, %dma_start3A_30] : memref<32x105x128xi32, #tpu.memory_space<hbm>> -> memref<1x105x128xi32, #tpu.memory_space<hbm>>
      %dma_start3A_32 = tpu.memref_squeeze %dma_start3A_31 : memref<1x105x128xi32, #tpu.memory_space<hbm>> -> memref<105x128xi32, #tpu.memory_space<hbm>>
      %dma_start3A_33 = arith.constant 0 : i32
      %dma_start3A_34 = arith.constant 0 : i32
      %dma_start3A_35 = tpu.memref_slice %arg3[%add3A, %dma_start3A_33, %dma_start3A_34] : memref<32x105x128xi32, #tpu.memory_space<hbm>> -> memref<1x105x128xi32, #tpu.memory_space<hbm>>
      %dma_start3A_36 = tpu.memref_squeeze %dma_start3A_35 : memref<1x105x128xi32, #tpu.memory_space<hbm>> -> memref<105x128xi32, #tpu.memory_space<hbm>>
      tpu.enqueue_dma source(%dma_start3A_36 : memref<105x128xi32, #tpu.memory_space<hbm>>) target(%arg7 : memref<105x128xi32, #tpu.memory_space<vmem>>) target_semaphore(%run_scoped3A : memref<!tpu.dma_semaphore, #tpu.memory_space<semaphore_mem>>)
      %dma_wait3A = arith.constant 0 : i32
      %dma_wait3A_37 = arith.constant 0 : i32
      %dma_wait3A_38 = tpu.memref_slice %arg3[%add3A, %dma_wait3A, %dma_wait3A_37] : memref<32x105x128xi32, #tpu.memory_space<hbm>> -> memref<1x105x128xi32, #tpu.memory_space<hbm>>
      %dma_wait3A_39 = tpu.memref_squeeze %dma_wait3A_38 : memref<1x105x128xi32, #tpu.memory_space<hbm>> -> memref<105x128xi32, #tpu.memory_space<hbm>>
      %dma_wait3A_40 = arith.constant 0 : i32
      %dma_wait3A_41 = arith.constant 0 : i32
      %dma_wait3A_42 = tpu.memref_slice %arg3[%add3A, %dma_wait3A_40, %dma_wait3A_41] : memref<32x105x128xi32, #tpu.memory_space<hbm>> -> memref<1x105x128xi32, #tpu.memory_space<hbm>>
      %dma_wait3A_43 = tpu.memref_squeeze %dma_wait3A_42 : memref<1x105x128xi32, #tpu.memory_space<hbm>> -> memref<105x128xi32, #tpu.memory_space<hbm>>
      tpu.wait_dma2 semaphore(%run_scoped3A : memref<!tpu.dma_semaphore, #tpu.memory_space<semaphore_mem>>) src(%dma_wait3A_43 : memref<105x128xi32, #tpu.memory_space<hbm>>) dst(%arg7 : memref<105x128xi32, #tpu.memory_space<vmem>>)
      tpu.yield
    }) : () -> ()
    "tpu.region"() ({
      %run_scoped3A = tpu.sem_alloc : memref<!tpu.dma_semaphore, #tpu.memory_space<semaphore_mem>>
      %dma_start3A = arith.constant 0 : i32
      %dma_start3A_30 = arith.constant 0 : i32
      %dma_start3A_31 = tpu.memref_slice %arg4[%add3A, %dma_start3A, %dma_start3A_30] : memref<32x105x128xi32, #tpu.memory_space<hbm>> -> memref<1x105x128xi32, #tpu.memory_space<hbm>>
      %dma_start3A_32 = tpu.memref_squeeze %dma_start3A_31 : memref<1x105x128xi32, #tpu.memory_space<hbm>> -> memref<105x128xi32, #tpu.memory_space<hbm>>
      %dma_start3A_33 = arith.constant 0 : i32
      %dma_start3A_34 = arith.constant 0 : i32
      %dma_start3A_35 = tpu.memref_slice %arg4[%add3A, %dma_start3A_33, %dma_start3A_34] : memref<32x105x128xi32, #tpu.memory_space<hbm>> -> memref<1x105x128xi32, #tpu.memory_space<hbm>>
      %dma_start3A_36 = tpu.memref_squeeze %dma_start3A_35 : memref<1x105x128xi32, #tpu.memory_space<hbm>> -> memref<105x128xi32, #tpu.memory_space<hbm>>
      tpu.enqueue_dma source(%dma_start3A_36 : memref<105x128xi32, #tpu.memory_space<hbm>>) target(%arg8 : memref<105x128xi32, #tpu.memory_space<vmem>>) target_semaphore(%run_scoped3A : memref<!tpu.dma_semaphore, #tpu.memory_space<semaphore_mem>>)
      %dma_wait3A = arith.constant 0 : i32
      %dma_wait3A_37 = arith.constant 0 : i32
      %dma_wait3A_38 = tpu.memref_slice %arg4[%add3A, %dma_wait3A, %dma_wait3A_37] : memref<32x105x128xi32, #tpu.memory_space<hbm>> -> memref<1x105x128xi32, #tpu.memory_space<hbm>>
      %dma_wait3A_39 = tpu.memref_squeeze %dma_wait3A_38 : memref<1x105x128xi32, #tpu.memory_space<hbm>> -> memref<105x128xi32, #tpu.memory_space<hbm>>
      %dma_wait3A_40 = arith.constant 0 : i32
      %dma_wait3A_41 = arith.constant 0 : i32
      %dma_wait3A_42 = tpu.memref_slice %arg4[%add3A, %dma_wait3A_40, %dma_wait3A_41] : memref<32x105x128xi32, #tpu.memory_space<hbm>> -> memref<1x105x128xi32, #tpu.memory_space<hbm>>
      %dma_wait3A_43 = tpu.memref_squeeze %dma_wait3A_42 : memref<1x105x128xi32, #tpu.memory_space<hbm>> -> memref<105x128xi32, #tpu.memory_space<hbm>>
      tpu.wait_dma2 semaphore(%run_scoped3A : memref<!tpu.dma_semaphore, #tpu.memory_space<semaphore_mem>>) src(%dma_wait3A_43 : memref<105x128xi32, #tpu.memory_space<hbm>>) dst(%arg8 : memref<105x128xi32, #tpu.memory_space<vmem>>)
      tpu.yield
    }) : () -> ()
    %barrier3A = arith.constant 0 : index
    tpu.barrier barrier_id(%barrier3A)
    %eq3A_7 = arith.constant 0 : i32
    %eq3A_8 = arith.cmpi eq, %arg0, %eq3A_7 : i32
    %jit3A = arith.constant 105 : i32
    %jit3A_9 = arith.constant 53 : i32
    %select_n3A = arith.select %eq3A_8, %jit3A, %jit3A_9 : i32
    %while3A = arith.constant 0 : i32
    %while3A_10 = arith.constant 0 : i32
    %while3A_11 = arith.subi %select_n3A, %while3A_10 : i32
    %while3A_12 = arith.addi %while3A_10, %while3A_11 : i32
    %while3A_13 = arith.constant 1 : i32
    %while3A_14 = arith.divsi %while3A_11, %while3A_13 : i32
    %while3A_15 = arith.muli %while3A_14, %while3A_13 : i32
    %while3A_16 = arith.addi %while3A_10, %while3A_15 : i32
    %while3A_17 = arith.constant 1 : i32
    scf.for %while3A_30 = %while3A_10 to %while3A_16 step %while3A_17  : i32 {
      %dma_start3A = arith.constant 0 : i32
      %dma_start3A_31 = tpu.memref_slice %arg7[%while3A_30, %dma_start3A] : memref<105x128xi32, #tpu.memory_space<vmem>> -> memref<1x128xi32, #tpu.memory_space<vmem>>
      %dma_start3A_32 = tpu.memref_squeeze %dma_start3A_31 : memref<1x128xi32, #tpu.memory_space<vmem>> -> memref<128xi32, #tpu.memory_space<vmem>>
      %dma_start3A_33 = arith.constant 0 : i32
      %dma_start3A_34 = arith.constant 0 : i32
      %dma_start3A_35 = tpu.memref_slice %arg2[%dma_start3A_33, %dma_start3A_34] : memref<10000x80xf32, #tpu.memory_space<hbm>> -> memref<10000x80xf32, #tpu.memory_space<hbm>>
      tpu.enqueue_indirect_dma source(%dma_start3A_35 : memref<10000x80xf32, #tpu.memory_space<hbm>>) target(%arg9 : memref<128x80xf32, #tpu.memory_space<vmem>>) offsets(%dma_start3A_32 : memref<128xi32, #tpu.memory_space<vmem>>) semaphore(%arg11 : memref<!tpu.dma_semaphore, #tpu.memory_space<semaphore_mem>>)
      %dma_wait3A = arith.constant 0 : i32
      %dma_wait3A_36 = tpu.memref_slice %arg7[%while3A_30, %dma_wait3A] : memref<105x128xi32, #tpu.memory_space<vmem>> -> memref<1x128xi32, #tpu.memory_space<vmem>>
      %dma_wait3A_37 = tpu.memref_squeeze %dma_wait3A_36 : memref<1x128xi32, #tpu.memory_space<vmem>> -> memref<128xi32, #tpu.memory_space<vmem>>
      %dma_wait3A_38 = arith.constant 0 : i32
      %dma_wait3A_39 = arith.constant 0 : i32
      %dma_wait3A_40 = tpu.memref_slice %arg2[%dma_wait3A_38, %dma_wait3A_39] : memref<10000x80xf32, #tpu.memory_space<hbm>> -> memref<10000x80xf32, #tpu.memory_space<hbm>>
      tpu.wait_indirect_dma semaphore(%arg11 : memref<!tpu.dma_semaphore, #tpu.memory_space<semaphore_mem>>) src(%dma_wait3A_40 : memref<10000x80xf32, #tpu.memory_space<hbm>>) dst(%arg9 : memref<128x80xf32, #tpu.memory_space<vmem>>)
      "tpu.region"() ({
        %run_scoped3A = tpu.sem_alloc : memref<!tpu.dma_semaphore, #tpu.memory_space<semaphore_mem>>
        %dma_start3A_41 = arith.constant 0 : i32
        %dma_start3A_42 = tpu.memref_slice %arg8[%while3A_30, %dma_start3A_41] : memref<105x128xi32, #tpu.memory_space<vmem>> -> memref<1x128xi32, #tpu.memory_space<vmem>>
        %dma_start3A_43 = tpu.memref_squeeze %dma_start3A_42 : memref<1x128xi32, #tpu.memory_space<vmem>> -> memref<128xi32, #tpu.memory_space<vmem>>
        %dma_start3A_44 = arith.constant 0 : i32
        %dma_start3A_45 = arith.constant 0 : i32
        %dma_start3A_46 = tpu.memref_slice %arg10[%dma_start3A_44, %dma_start3A_45] : memref<10512x80xf32, #tpu.memory_space<vmem_shared>> -> memref<10512x80xf32, #tpu.memory_space<vmem_shared>>
        tpu.enqueue_indirect_dma source(%arg9 : memref<128x80xf32, #tpu.memory_space<vmem>>) target(%dma_start3A_46 : memref<10512x80xf32, #tpu.memory_space<vmem_shared>>) offsets(%dma_start3A_43 : memref<128xi32, #tpu.memory_space<vmem>>) semaphore(%run_scoped3A : memref<!tpu.dma_semaphore, #tpu.memory_space<semaphore_mem>>) {add = true}
        %dma_wait3A_47 = arith.constant 0 : i32
        %dma_wait3A_48 = tpu.memref_slice %arg8[%while3A_30, %dma_wait3A_47] : memref<105x128xi32, #tpu.memory_space<vmem>> -> memref<1x128xi32, #tpu.memory_space<vmem>>
        %dma_wait3A_49 = tpu.memref_squeeze %dma_wait3A_48 : memref<1x128xi32, #tpu.memory_space<vmem>> -> memref<128xi32, #tpu.memory_space<vmem>>
        %dma_wait3A_50 = arith.constant 0 : i32
        %dma_wait3A_51 = arith.constant 0 : i32
        %dma_wait3A_52 = tpu.memref_slice %arg10[%dma_wait3A_50, %dma_wait3A_51] : memref<10512x80xf32, #tpu.memory_space<vmem_shared>> -> memref<10512x80xf32, #tpu.memory_space<vmem_shared>>
        tpu.wait_indirect_dma semaphore(%run_scoped3A : memref<!tpu.dma_semaphore, #tpu.memory_space<semaphore_mem>>) src(%arg9 : memref<128x80xf32, #tpu.memory_space<vmem>>) dst(%dma_wait3A_52 : memref<10512x80xf32, #tpu.memory_space<vmem_shared>>)
        tpu.yield
      }) : () -> ()
    }
    %while3A_18 = arith.constant 1 : i32
    scf.for %while3A_30 = %while3A_16 to %while3A_12 step %while3A_18  : i32 {
      %dma_start3A = arith.constant 0 : i32
      %dma_start3A_31 = tpu.memref_slice %arg7[%while3A_30, %dma_start3A] : memref<105x128xi32, #tpu.memory_space<vmem>> -> memref<1x128xi32, #tpu.memory_space<vmem>>
      %dma_start3A_32 = tpu.memref_squeeze %dma_start3A_31 : memref<1x128xi32, #tpu.memory_space<vmem>> -> memref<128xi32, #tpu.memory_space<vmem>>
      %dma_start3A_33 = arith.constant 0 : i32
      %dma_start3A_34 = arith.constant 0 : i32
      %dma_start3A_35 = tpu.memref_slice %arg2[%dma_start3A_33, %dma_start3A_34] : memref<10000x80xf32, #tpu.memory_space<hbm>> -> memref<10000x80xf32, #tpu.memory_space<hbm>>
      tpu.enqueue_indirect_dma source(%dma_start3A_35 : memref<10000x80xf32, #tpu.memory_space<hbm>>) target(%arg9 : memref<128x80xf32, #tpu.memory_space<vmem>>) offsets(%dma_start3A_32 : memref<128xi32, #tpu.memory_space<vmem>>) semaphore(%arg11 : memref<!tpu.dma_semaphore, #tpu.memory_space<semaphore_mem>>)
      %dma_wait3A = arith.constant 0 : i32
      %dma_wait3A_36 = tpu.memref_slice %arg7[%while3A_30, %dma_wait3A] : memref<105x128xi32, #tpu.memory_space<vmem>> -> memref<1x128xi32, #tpu.memory_space<vmem>>
      %dma_wait3A_37 = tpu.memref_squeeze %dma_wait3A_36 : memref<1x128xi32, #tpu.memory_space<vmem>> -> memref<128xi32, #tpu.memory_space<vmem>>
      %dma_wait3A_38 = arith.constant 0 : i32
      %dma_wait3A_39 = arith.constant 0 : i32
      %dma_wait3A_40 = tpu.memref_slice %arg2[%dma_wait3A_38, %dma_wait3A_39] : memref<10000x80xf32, #tpu.memory_space<hbm>> -> memref<10000x80xf32, #tpu.memory_space<hbm>>
      tpu.wait_indirect_dma semaphore(%arg11 : memref<!tpu.dma_semaphore, #tpu.memory_space<semaphore_mem>>) src(%dma_wait3A_40 : memref<10000x80xf32, #tpu.memory_space<hbm>>) dst(%arg9 : memref<128x80xf32, #tpu.memory_space<vmem>>)
      "tpu.region"() ({
        %run_scoped3A = tpu.sem_alloc : memref<!tpu.dma_semaphore, #tpu.memory_space<semaphore_mem>>
        %dma_start3A_41 = arith.constant 0 : i32
        %dma_start3A_42 = tpu.memref_slice %arg8[%while3A_30, %dma_start3A_41] : memref<105x128xi32, #tpu.memory_space<vmem>> -> memref<1x128xi32, #tpu.memory_space<vmem>>
        %dma_start3A_43 = tpu.memref_squeeze %dma_start3A_42 : memref<1x128xi32, #tpu.memory_space<vmem>> -> memref<128xi32, #tpu.memory_space<vmem>>
        %dma_start3A_44 = arith.constant 0 : i32
        %dma_start3A_45 = arith.constant 0 : i32
        %dma_start3A_46 = tpu.memref_slice %arg10[%dma_start3A_44, %dma_start3A_45] : memref<10512x80xf32, #tpu.memory_space<vmem_shared>> -> memref<10512x80xf32, #tpu.memory_space<vmem_shared>>
        tpu.enqueue_indirect_dma source(%arg9 : memref<128x80xf32, #tpu.memory_space<vmem>>) target(%dma_start3A_46 : memref<10512x80xf32, #tpu.memory_space<vmem_shared>>) offsets(%dma_start3A_43 : memref<128xi32, #tpu.memory_space<vmem>>) semaphore(%run_scoped3A : memref<!tpu.dma_semaphore, #tpu.memory_space<semaphore_mem>>) {add = true}
        %dma_wait3A_47 = arith.constant 0 : i32
        %dma_wait3A_48 = tpu.memref_slice %arg8[%while3A_30, %dma_wait3A_47] : memref<105x128xi32, #tpu.memory_space<vmem>> -> memref<1x128xi32, #tpu.memory_space<vmem>>
        %dma_wait3A_49 = tpu.memref_squeeze %dma_wait3A_48 : memref<1x128xi32, #tpu.memory_space<vmem>> -> memref<128xi32, #tpu.memory_space<vmem>>
        %dma_wait3A_50 = arith.constant 0 : i32
        %dma_wait3A_51 = arith.constant 0 : i32
        %dma_wait3A_52 = tpu.memref_slice %arg10[%dma_wait3A_50, %dma_wait3A_51] : memref<10512x80xf32, #tpu.memory_space<vmem_shared>> -> memref<10512x80xf32, #tpu.memory_space<vmem_shared>>
        tpu.wait_indirect_dma semaphore(%run_scoped3A : memref<!tpu.dma_semaphore, #tpu.memory_space<semaphore_mem>>) src(%arg9 : memref<128x80xf32, #tpu.memory_space<vmem>>) dst(%dma_wait3A_52 : memref<10512x80xf32, #tpu.memory_space<vmem_shared>>)
        tpu.yield
      }) : () -> ()
    }
    %barrier3A_19 = arith.constant 0 : index
    tpu.barrier barrier_id(%barrier3A_19)
    %lt3A_20 = arith.constant 15 : i32
    %lt3A_21 = arith.cmpi slt, %arg1, %lt3A_20 : i32
    %convert_element_type3A_22 = arith.extui %lt3A_21 : i1 to i32
    %cond3A_23 = arith.constant 0 : i32
    %cond3A_24 = arith.cmpi ne, %convert_element_type3A_22, %cond3A_23 : i32
    scf.if %cond3A_24 {
      %mul3A_30 = arith.constant 632 : i32
      %mul3A_31 = arith.muli %arg1, %mul3A_30 : i32
      %mul3A_32 = arith.constant 632 : i32
      %mul3A_33 = arith.muli %arg1, %mul3A_32 : i32
      "tpu.region"() ({
        %run_scoped3A = tpu.sem_alloc : memref<!tpu.dma_semaphore, #tpu.memory_space<semaphore_mem>>
        %dma_start3A = arith.constant 0 : i32
        %dma_start3A_34 = tpu.memref_slice %arg6[%arg0, %mul3A_33, %dma_start3A] : memref<2x10000x80xf32, #tpu.memory_space<hbm>> -> memref<1x632x80xf32, #tpu.memory_space<hbm>>
        %dma_start3A_35 = tpu.memref_squeeze %dma_start3A_34 : memref<1x632x80xf32, #tpu.memory_space<hbm>> -> memref<632x80xf32, #tpu.memory_space<hbm>>
        %dma_start3A_36 = arith.constant 0 : i32
        %dma_start3A_37 = tpu.memref_slice %arg10[%mul3A_31, %dma_start3A_36] : memref<10512x80xf32, #tpu.memory_space<vmem_shared>> -> memref<632x80xf32, #tpu.memory_space<vmem_shared>>
        tpu.enqueue_dma source(%dma_start3A_37 : memref<632x80xf32, #tpu.memory_space<vmem_shared>>) target(%dma_start3A_35 : memref<632x80xf32, #tpu.memory_space<hbm>>) target_semaphore(%run_scoped3A : memref<!tpu.dma_semaphore, #tpu.memory_space<semaphore_mem>>)
        %dma_wait3A = arith.constant 0 : i32
        %dma_wait3A_38 = tpu.memref_slice %arg6[%arg0, %mul3A_33, %dma_wait3A] : memref<2x10000x80xf32, #tpu.memory_space<hbm>> -> memref<1x632x80xf32, #tpu.memory_space<hbm>>
        %dma_wait3A_39 = tpu.memref_squeeze %dma_wait3A_38 : memref<1x632x80xf32, #tpu.memory_space<hbm>> -> memref<632x80xf32, #tpu.memory_space<hbm>>
        %dma_wait3A_40 = arith.constant 0 : i32
        %dma_wait3A_41 = tpu.memref_slice %arg10[%mul3A_31, %dma_wait3A_40] : memref<10512x80xf32, #tpu.memory_space<vmem_shared>> -> memref<632x80xf32, #tpu.memory_space<vmem_shared>>
        tpu.wait_dma2 semaphore(%run_scoped3A : memref<!tpu.dma_semaphore, #tpu.memory_space<semaphore_mem>>) src(%dma_wait3A_41 : memref<632x80xf32, #tpu.memory_space<vmem_shared>>) dst(%dma_wait3A_39 : memref<632x80xf32, #tpu.memory_space<hbm>>)
        tpu.yield
      }) : () -> ()
    } else {
    }
    %eq3A_25 = arith.constant 15 : i32
    %eq3A_26 = arith.cmpi eq, %arg1, %eq3A_25 : i32
    %convert_element_type3A_27 = arith.extui %eq3A_26 : i1 to i32
    %cond3A_28 = arith.constant 0 : i32
    %cond3A_29 = arith.cmpi ne, %convert_element_type3A_27, %cond3A_28 : i32
    scf.if %cond3A_29 {
      "tpu.region"() ({
        %run_scoped3A = tpu.sem_alloc : memref<!tpu.dma_semaphore, #tpu.memory_space<semaphore_mem>>
        %dma_start3A = arith.constant 9480 : i32
        %dma_start3A_30 = arith.constant 0 : i32
        %dma_start3A_31 = tpu.memref_slice %arg6[%arg0, %dma_start3A, %dma_start3A_30] : memref<2x10000x80xf32, #tpu.memory_space<hbm>> -> memref<1x520x80xf32, #tpu.memory_space<hbm>>
        %dma_start3A_32 = tpu.memref_squeeze %dma_start3A_31 : memref<1x520x80xf32, #tpu.memory_space<hbm>> -> memref<520x80xf32, #tpu.memory_space<hbm>>
        %dma_start3A_33 = arith.constant 9480 : i32
        %dma_start3A_34 = arith.constant 0 : i32
        %dma_start3A_35 = tpu.memref_slice %arg10[%dma_start3A_33, %dma_start3A_34] : memref<10512x80xf32, #tpu.memory_space<vmem_shared>> -> memref<520x80xf32, #tpu.memory_space<vmem_shared>>
        tpu.enqueue_dma source(%dma_start3A_35 : memref<520x80xf32, #tpu.memory_space<vmem_shared>>) target(%dma_start3A_32 : memref<520x80xf32, #tpu.memory_space<hbm>>) target_semaphore(%run_scoped3A : memref<!tpu.dma_semaphore, #tpu.memory_space<semaphore_mem>>)
        %dma_wait3A = arith.constant 9480 : i32
        %dma_wait3A_36 = arith.constant 0 : i32
        %dma_wait3A_37 = tpu.memref_slice %arg6[%arg0, %dma_wait3A, %dma_wait3A_36] : memref<2x10000x80xf32, #tpu.memory_space<hbm>> -> memref<1x520x80xf32, #tpu.memory_space<hbm>>
        %dma_wait3A_38 = tpu.memref_squeeze %dma_wait3A_37 : memref<1x520x80xf32, #tpu.memory_space<hbm>> -> memref<520x80xf32, #tpu.memory_space<hbm>>
        %dma_wait3A_39 = arith.constant 9480 : i32
        %dma_wait3A_40 = arith.constant 0 : i32
        %dma_wait3A_41 = tpu.memref_slice %arg10[%dma_wait3A_39, %dma_wait3A_40] : memref<10512x80xf32, #tpu.memory_space<vmem_shared>> -> memref<520x80xf32, #tpu.memory_space<vmem_shared>>
        tpu.wait_dma2 semaphore(%run_scoped3A : memref<!tpu.dma_semaphore, #tpu.memory_space<semaphore_mem>>) src(%dma_wait3A_41 : memref<520x80xf32, #tpu.memory_space<vmem_shared>>) dst(%dma_wait3A_38 : memref<520x80xf32, #tpu.memory_space<hbm>>)
        tpu.yield
      }) : () -> ()
    } else {
    }
    return
  }
}

#map = affine_map<(d0, d1) -> (0, 0)>
#map1 = affine_map<(d0, d1) -> (0, 0, 0)>
module attributes {stable_mosaic.version = 14 : i64} {
  func.func @phase(%arg0: i32, %arg1: i32, %arg2: memref<10000x80xf32, #tpu.memory_space<hbm>>, %arg3: memref<32x105x128xi32, #tpu.memory_space<hbm>>, %arg4: memref<32x105x128xi32, #tpu.memory_space<hbm>>, %arg5: memref<10512x80xf32, #tpu.memory_space<hbm>>, %arg6: memref<2x10000x80xf32, #tpu.memory_space<hbm>>, %arg7: memref<105x128xi32, #tpu.memory_space<vmem>>, %arg8: memref<105x128xi32, #tpu.memory_space<vmem>>, %arg9: memref<128x80xf32, #tpu.memory_space<vmem>>, %arg10: memref<10512x80xf32, #tpu.memory_space<vmem_shared>>, %arg11: memref<!tpu.dma_semaphore, #tpu.memory_space<semaphore_mem>>) attributes {dimension_semantics = [#tpu.dimension_semantics<core_parallel>, #tpu.dimension_semantics<subcore_parallel>], iteration_bounds = array<i64: 2, 16>, scalar_prefetch = 0 : i64, scratch_operands = 5 : i64, tpu.core_type = #tpu.core_type<sc_vector_subcore>, window_params = [{transform_indices = #map}, {transform_indices = #map1}, {transform_indices = #map1}, {transform_indices = #map}, {transform_indices = #map1}]} {
    %lt3A = arith.constant 15 : i32
    %lt3A_0 = arith.cmpi slt, %arg1, %lt3A : i32
    %convert_element_type3A = arith.extui %lt3A_0 : i1 to i32
    %cond3A = arith.constant 0 : i32
    %cond3A_1 = arith.cmpi ne, %convert_element_type3A, %cond3A : i32
    scf.if %cond3A_1 {
      %mul3A_30 = arith.constant 664 : i32
      %mul3A_31 = arith.muli %arg1, %mul3A_30 : i32
      %mul3A_32 = arith.constant 664 : i32
      %mul3A_33 = arith.muli %arg1, %mul3A_32 : i32
      "tpu.region"() ({
        %run_scoped3A = tpu.sem_alloc : memref<!tpu.dma_semaphore, #tpu.memory_space<semaphore_mem>>
        %dma_start3A = arith.constant 0 : i32
        %dma_start3A_34 = tpu.memref_slice %arg10[%mul3A_33, %dma_start3A] : memref<10512x80xf32, #tpu.memory_space<vmem_shared>> -> memref<664x80xf32, #tpu.memory_space<vmem_shared>>
        %dma_start3A_35 = arith.constant 0 : i32
        %dma_start3A_36 = tpu.memref_slice %arg5[%mul3A_31, %dma_start3A_35] : memref<10512x80xf32, #tpu.memory_space<hbm>> -> memref<664x80xf32, #tpu.memory_space<hbm>>
        tpu.enqueue_dma source(%dma_start3A_36 : memref<664x80xf32, #tpu.memory_space<hbm>>) target(%dma_start3A_34 : memref<664x80xf32, #tpu.memory_space<vmem_shared>>) target_semaphore(%run_scoped3A : memref<!tpu.dma_semaphore, #tpu.memory_space<semaphore_mem>>)
        %dma_wait3A = arith.constant 0 : i32
        %dma_wait3A_37 = tpu.memref_slice %arg10[%mul3A_33, %dma_wait3A] : memref<10512x80xf32, #tpu.memory_space<vmem_shared>> -> memref<664x80xf32, #tpu.memory_space<vmem_shared>>
        %dma_wait3A_38 = arith.constant 0 : i32
        %dma_wait3A_39 = tpu.memref_slice %arg5[%mul3A_31, %dma_wait3A_38] : memref<10512x80xf32, #tpu.memory_space<hbm>> -> memref<664x80xf32, #tpu.memory_space<hbm>>
        tpu.wait_dma2 semaphore(%run_scoped3A : memref<!tpu.dma_semaphore, #tpu.memory_space<semaphore_mem>>) src(%dma_wait3A_39 : memref<664x80xf32, #tpu.memory_space<hbm>>) dst(%dma_wait3A_37 : memref<664x80xf32, #tpu.memory_space<vmem_shared>>)
        tpu.yield
      }) : () -> ()
    } else {
    }
    %eq3A = arith.constant 15 : i32
    %eq3A_2 = arith.cmpi eq, %arg1, %eq3A : i32
    %convert_element_type3A_3 = arith.extui %eq3A_2 : i1 to i32
    %cond3A_4 = arith.constant 0 : i32
    %cond3A_5 = arith.cmpi ne, %convert_element_type3A_3, %cond3A_4 : i32
    scf.if %cond3A_5 {
      "tpu.region"() ({
        %run_scoped3A = tpu.sem_alloc : memref<!tpu.dma_semaphore, #tpu.memory_space<semaphore_mem>>
        %dma_start3A = arith.constant 9960 : i32
        %dma_start3A_30 = arith.constant 0 : i32
        %dma_start3A_31 = tpu.memref_slice %arg10[%dma_start3A, %dma_start3A_30] : memref<10512x80xf32, #tpu.memory_space<vmem_shared>> -> memref<552x80xf32, #tpu.memory_space<vmem_shared>>
        %dma_start3A_32 = arith.constant 9960 : i32
        %dma_start3A_33 = arith.constant 0 : i32
        %dma_start3A_34 = tpu.memref_slice %arg5[%dma_start3A_32, %dma_start3A_33] : memref<10512x80xf32, #tpu.memory_space<hbm>> -> memref<552x80xf32, #tpu.memory_space<hbm>>
        tpu.enqueue_dma source(%dma_start3A_34 : memref<552x80xf32, #tpu.memory_space<hbm>>) target(%dma_start3A_31 : memref<552x80xf32, #tpu.memory_space<vmem_shared>>) target_semaphore(%run_scoped3A : memref<!tpu.dma_semaphore, #tpu.memory_space<semaphore_mem>>)
        %dma_wait3A = arith.constant 9960 : i32
        %dma_wait3A_35 = arith.constant 0 : i32
        %dma_wait3A_36 = tpu.memref_slice %arg10[%dma_wait3A, %dma_wait3A_35] : memref<10512x80xf32, #tpu.memory_space<vmem_shared>> -> memref<552x80xf32, #tpu.memory_space<vmem_shared>>
        %dma_wait3A_37 = arith.constant 9960 : i32
        %dma_wait3A_38 = arith.constant 0 : i32
        %dma_wait3A_39 = tpu.memref_slice %arg5[%dma_wait3A_37, %dma_wait3A_38] : memref<10512x80xf32, #tpu.memory_space<hbm>> -> memref<552x80xf32, #tpu.memory_space<hbm>>
        tpu.wait_dma2 semaphore(%run_scoped3A : memref<!tpu.dma_semaphore, #tpu.memory_space<semaphore_mem>>) src(%dma_wait3A_39 : memref<552x80xf32, #tpu.memory_space<hbm>>) dst(%dma_wait3A_36 : memref<552x80xf32, #tpu.memory_space<vmem_shared>>)
        tpu.yield
      }) : () -> ()
    } else {
    }
    %mul3A = arith.constant 16 : i32
    %mul3A_6 = arith.muli %arg0, %mul3A : i32
    %add3A = arith.addi %mul3A_6, %arg1 : i32
    "tpu.region"() ({
      %run_scoped3A = tpu.sem_alloc : memref<!tpu.dma_semaphore, #tpu.memory_space<semaphore_mem>>
      %dma_start3A = arith.constant 0 : i32
      %dma_start3A_30 = arith.constant 0 : i32
      %dma_start3A_31 = tpu.memref_slice %arg3[%add3A, %dma_start3A, %dma_start3A_30] : memref<32x105x128xi32, #tpu.memory_space<hbm>> -> memref<1x105x128xi32, #tpu.memory_space<hbm>>
      %dma_start3A_32 = tpu.memref_squeeze %dma_start3A_31 : memref<1x105x128xi32, #tpu.memory_space<hbm>> -> memref<105x128xi32, #tpu.memory_space<hbm>>
      %dma_start3A_33 = arith.constant 0 : i32
      %dma_start3A_34 = arith.constant 0 : i32
      %dma_start3A_35 = tpu.memref_slice %arg3[%add3A, %dma_start3A_33, %dma_start3A_34] : memref<32x105x128xi32, #tpu.memory_space<hbm>> -> memref<1x105x128xi32, #tpu.memory_space<hbm>>
      %dma_start3A_36 = tpu.memref_squeeze %dma_start3A_35 : memref<1x105x128xi32, #tpu.memory_space<hbm>> -> memref<105x128xi32, #tpu.memory_space<hbm>>
      tpu.enqueue_dma source(%dma_start3A_36 : memref<105x128xi32, #tpu.memory_space<hbm>>) target(%arg7 : memref<105x128xi32, #tpu.memory_space<vmem>>) target_semaphore(%run_scoped3A : memref<!tpu.dma_semaphore, #tpu.memory_space<semaphore_mem>>)
      %dma_wait3A = arith.constant 0 : i32
      %dma_wait3A_37 = arith.constant 0 : i32
      %dma_wait3A_38 = tpu.memref_slice %arg3[%add3A, %dma_wait3A, %dma_wait3A_37] : memref<32x105x128xi32, #tpu.memory_space<hbm>> -> memref<1x105x128xi32, #tpu.memory_space<hbm>>
      %dma_wait3A_39 = tpu.memref_squeeze %dma_wait3A_38 : memref<1x105x128xi32, #tpu.memory_space<hbm>> -> memref<105x128xi32, #tpu.memory_space<hbm>>
      %dma_wait3A_40 = arith.constant 0 : i32
      %dma_wait3A_41 = arith.constant 0 : i32
      %dma_wait3A_42 = tpu.memref_slice %arg3[%add3A, %dma_wait3A_40, %dma_wait3A_41] : memref<32x105x128xi32, #tpu.memory_space<hbm>> -> memref<1x105x128xi32, #tpu.memory_space<hbm>>
      %dma_wait3A_43 = tpu.memref_squeeze %dma_wait3A_42 : memref<1x105x128xi32, #tpu.memory_space<hbm>> -> memref<105x128xi32, #tpu.memory_space<hbm>>
      tpu.wait_dma2 semaphore(%run_scoped3A : memref<!tpu.dma_semaphore, #tpu.memory_space<semaphore_mem>>) src(%dma_wait3A_43 : memref<105x128xi32, #tpu.memory_space<hbm>>) dst(%arg7 : memref<105x128xi32, #tpu.memory_space<vmem>>)
      tpu.yield
    }) : () -> ()
    "tpu.region"() ({
      %run_scoped3A = tpu.sem_alloc : memref<!tpu.dma_semaphore, #tpu.memory_space<semaphore_mem>>
      %dma_start3A = arith.constant 0 : i32
      %dma_start3A_30 = arith.constant 0 : i32
      %dma_start3A_31 = tpu.memref_slice %arg4[%add3A, %dma_start3A, %dma_start3A_30] : memref<32x105x128xi32, #tpu.memory_space<hbm>> -> memref<1x105x128xi32, #tpu.memory_space<hbm>>
      %dma_start3A_32 = tpu.memref_squeeze %dma_start3A_31 : memref<1x105x128xi32, #tpu.memory_space<hbm>> -> memref<105x128xi32, #tpu.memory_space<hbm>>
      %dma_start3A_33 = arith.constant 0 : i32
      %dma_start3A_34 = arith.constant 0 : i32
      %dma_start3A_35 = tpu.memref_slice %arg4[%add3A, %dma_start3A_33, %dma_start3A_34] : memref<32x105x128xi32, #tpu.memory_space<hbm>> -> memref<1x105x128xi32, #tpu.memory_space<hbm>>
      %dma_start3A_36 = tpu.memref_squeeze %dma_start3A_35 : memref<1x105x128xi32, #tpu.memory_space<hbm>> -> memref<105x128xi32, #tpu.memory_space<hbm>>
      tpu.enqueue_dma source(%dma_start3A_36 : memref<105x128xi32, #tpu.memory_space<hbm>>) target(%arg8 : memref<105x128xi32, #tpu.memory_space<vmem>>) target_semaphore(%run_scoped3A : memref<!tpu.dma_semaphore, #tpu.memory_space<semaphore_mem>>)
      %dma_wait3A = arith.constant 0 : i32
      %dma_wait3A_37 = arith.constant 0 : i32
      %dma_wait3A_38 = tpu.memref_slice %arg4[%add3A, %dma_wait3A, %dma_wait3A_37] : memref<32x105x128xi32, #tpu.memory_space<hbm>> -> memref<1x105x128xi32, #tpu.memory_space<hbm>>
      %dma_wait3A_39 = tpu.memref_squeeze %dma_wait3A_38 : memref<1x105x128xi32, #tpu.memory_space<hbm>> -> memref<105x128xi32, #tpu.memory_space<hbm>>
      %dma_wait3A_40 = arith.constant 0 : i32
      %dma_wait3A_41 = arith.constant 0 : i32
      %dma_wait3A_42 = tpu.memref_slice %arg4[%add3A, %dma_wait3A_40, %dma_wait3A_41] : memref<32x105x128xi32, #tpu.memory_space<hbm>> -> memref<1x105x128xi32, #tpu.memory_space<hbm>>
      %dma_wait3A_43 = tpu.memref_squeeze %dma_wait3A_42 : memref<1x105x128xi32, #tpu.memory_space<hbm>> -> memref<105x128xi32, #tpu.memory_space<hbm>>
      tpu.wait_dma2 semaphore(%run_scoped3A : memref<!tpu.dma_semaphore, #tpu.memory_space<semaphore_mem>>) src(%dma_wait3A_43 : memref<105x128xi32, #tpu.memory_space<hbm>>) dst(%arg8 : memref<105x128xi32, #tpu.memory_space<vmem>>)
      tpu.yield
    }) : () -> ()
    %barrier3A = arith.constant 0 : index
    tpu.barrier barrier_id(%barrier3A)
    %eq3A_7 = arith.constant 0 : i32
    %eq3A_8 = arith.cmpi eq, %arg0, %eq3A_7 : i32
    %jit3A = arith.constant 105 : i32
    %jit3A_9 = arith.constant 53 : i32
    %select_n3A = arith.select %eq3A_8, %jit3A, %jit3A_9 : i32
    %while3A = arith.constant 0 : i32
    %while3A_10 = arith.constant 0 : i32
    %while3A_11 = arith.subi %select_n3A, %while3A_10 : i32
    %while3A_12 = arith.addi %while3A_10, %while3A_11 : i32
    %while3A_13 = arith.constant 1 : i32
    %while3A_14 = arith.divsi %while3A_11, %while3A_13 : i32
    %while3A_15 = arith.muli %while3A_14, %while3A_13 : i32
    %while3A_16 = arith.addi %while3A_10, %while3A_15 : i32
    %while3A_17 = arith.constant 1 : i32
    scf.for %while3A_30 = %while3A_10 to %while3A_16 step %while3A_17  : i32 {
      %dma_start3A = arith.constant 0 : i32
      %dma_start3A_31 = tpu.memref_slice %arg7[%while3A_30, %dma_start3A] : memref<105x128xi32, #tpu.memory_space<vmem>> -> memref<1x128xi32, #tpu.memory_space<vmem>>
      %dma_start3A_32 = tpu.memref_squeeze %dma_start3A_31 : memref<1x128xi32, #tpu.memory_space<vmem>> -> memref<128xi32, #tpu.memory_space<vmem>>
      %dma_start3A_33 = arith.constant 0 : i32
      %dma_start3A_34 = arith.constant 0 : i32
      %dma_start3A_35 = tpu.memref_slice %arg2[%dma_start3A_33, %dma_start3A_34] : memref<10000x80xf32, #tpu.memory_space<hbm>> -> memref<10000x80xf32, #tpu.memory_space<hbm>>
      tpu.enqueue_indirect_dma source(%dma_start3A_35 : memref<10000x80xf32, #tpu.memory_space<hbm>>) target(%arg9 : memref<128x80xf32, #tpu.memory_space<vmem>>) offsets(%dma_start3A_32 : memref<128xi32, #tpu.memory_space<vmem>>) semaphore(%arg11 : memref<!tpu.dma_semaphore, #tpu.memory_space<semaphore_mem>>)
      %dma_wait3A = arith.constant 0 : i32
      %dma_wait3A_36 = tpu.memref_slice %arg7[%while3A_30, %dma_wait3A] : memref<105x128xi32, #tpu.memory_space<vmem>> -> memref<1x128xi32, #tpu.memory_space<vmem>>
      %dma_wait3A_37 = tpu.memref_squeeze %dma_wait3A_36 : memref<1x128xi32, #tpu.memory_space<vmem>> -> memref<128xi32, #tpu.memory_space<vmem>>
      %dma_wait3A_38 = arith.constant 0 : i32
      %dma_wait3A_39 = arith.constant 0 : i32
      %dma_wait3A_40 = tpu.memref_slice %arg2[%dma_wait3A_38, %dma_wait3A_39] : memref<10000x80xf32, #tpu.memory_space<hbm>> -> memref<10000x80xf32, #tpu.memory_space<hbm>>
      tpu.wait_indirect_dma semaphore(%arg11 : memref<!tpu.dma_semaphore, #tpu.memory_space<semaphore_mem>>) src(%dma_wait3A_40 : memref<10000x80xf32, #tpu.memory_space<hbm>>) dst(%arg9 : memref<128x80xf32, #tpu.memory_space<vmem>>)
      "tpu.region"() ({
        %run_scoped3A = tpu.sem_alloc : memref<!tpu.dma_semaphore, #tpu.memory_space<semaphore_mem>>
        %dma_start3A_41 = arith.constant 0 : i32
        %dma_start3A_42 = tpu.memref_slice %arg8[%while3A_30, %dma_start3A_41] : memref<105x128xi32, #tpu.memory_space<vmem>> -> memref<1x128xi32, #tpu.memory_space<vmem>>
        %dma_start3A_43 = tpu.memref_squeeze %dma_start3A_42 : memref<1x128xi32, #tpu.memory_space<vmem>> -> memref<128xi32, #tpu.memory_space<vmem>>
        %dma_start3A_44 = arith.constant 0 : i32
        %dma_start3A_45 = arith.constant 0 : i32
        %dma_start3A_46 = tpu.memref_slice %arg10[%dma_start3A_44, %dma_start3A_45] : memref<10512x80xf32, #tpu.memory_space<vmem_shared>> -> memref<10512x80xf32, #tpu.memory_space<vmem_shared>>
        tpu.enqueue_indirect_dma source(%arg9 : memref<128x80xf32, #tpu.memory_space<vmem>>) target(%dma_start3A_46 : memref<10512x80xf32, #tpu.memory_space<vmem_shared>>) offsets(%dma_start3A_43 : memref<128xi32, #tpu.memory_space<vmem>>) semaphore(%run_scoped3A : memref<!tpu.dma_semaphore, #tpu.memory_space<semaphore_mem>>) {add = true}
        %dma_wait3A_47 = arith.constant 0 : i32
        %dma_wait3A_48 = tpu.memref_slice %arg8[%while3A_30, %dma_wait3A_47] : memref<105x128xi32, #tpu.memory_space<vmem>> -> memref<1x128xi32, #tpu.memory_space<vmem>>
        %dma_wait3A_49 = tpu.memref_squeeze %dma_wait3A_48 : memref<1x128xi32, #tpu.memory_space<vmem>> -> memref<128xi32, #tpu.memory_space<vmem>>
        %dma_wait3A_50 = arith.constant 0 : i32
        %dma_wait3A_51 = arith.constant 0 : i32
        %dma_wait3A_52 = tpu.memref_slice %arg10[%dma_wait3A_50, %dma_wait3A_51] : memref<10512x80xf32, #tpu.memory_space<vmem_shared>> -> memref<10512x80xf32, #tpu.memory_space<vmem_shared>>
        tpu.wait_indirect_dma semaphore(%run_scoped3A : memref<!tpu.dma_semaphore, #tpu.memory_space<semaphore_mem>>) src(%arg9 : memref<128x80xf32, #tpu.memory_space<vmem>>) dst(%dma_wait3A_52 : memref<10512x80xf32, #tpu.memory_space<vmem_shared>>)
        tpu.yield
      }) : () -> ()
    }
    %while3A_18 = arith.constant 1 : i32
    scf.for %while3A_30 = %while3A_16 to %while3A_12 step %while3A_18  : i32 {
      %dma_start3A = arith.constant 0 : i32
      %dma_start3A_31 = tpu.memref_slice %arg7[%while3A_30, %dma_start3A] : memref<105x128xi32, #tpu.memory_space<vmem>> -> memref<1x128xi32, #tpu.memory_space<vmem>>
      %dma_start3A_32 = tpu.memref_squeeze %dma_start3A_31 : memref<1x128xi32, #tpu.memory_space<vmem>> -> memref<128xi32, #tpu.memory_space<vmem>>
      %dma_start3A_33 = arith.constant 0 : i32
      %dma_start3A_34 = arith.constant 0 : i32
      %dma_start3A_35 = tpu.memref_slice %arg2[%dma_start3A_33, %dma_start3A_34] : memref<10000x80xf32, #tpu.memory_space<hbm>> -> memref<10000x80xf32, #tpu.memory_space<hbm>>
      tpu.enqueue_indirect_dma source(%dma_start3A_35 : memref<10000x80xf32, #tpu.memory_space<hbm>>) target(%arg9 : memref<128x80xf32, #tpu.memory_space<vmem>>) offsets(%dma_start3A_32 : memref<128xi32, #tpu.memory_space<vmem>>) semaphore(%arg11 : memref<!tpu.dma_semaphore, #tpu.memory_space<semaphore_mem>>)
      %dma_wait3A = arith.constant 0 : i32
      %dma_wait3A_36 = tpu.memref_slice %arg7[%while3A_30, %dma_wait3A] : memref<105x128xi32, #tpu.memory_space<vmem>> -> memref<1x128xi32, #tpu.memory_space<vmem>>
      %dma_wait3A_37 = tpu.memref_squeeze %dma_wait3A_36 : memref<1x128xi32, #tpu.memory_space<vmem>> -> memref<128xi32, #tpu.memory_space<vmem>>
      %dma_wait3A_38 = arith.constant 0 : i32
      %dma_wait3A_39 = arith.constant 0 : i32
      %dma_wait3A_40 = tpu.memref_slice %arg2[%dma_wait3A_38, %dma_wait3A_39] : memref<10000x80xf32, #tpu.memory_space<hbm>> -> memref<10000x80xf32, #tpu.memory_space<hbm>>
      tpu.wait_indirect_dma semaphore(%arg11 : memref<!tpu.dma_semaphore, #tpu.memory_space<semaphore_mem>>) src(%dma_wait3A_40 : memref<10000x80xf32, #tpu.memory_space<hbm>>) dst(%arg9 : memref<128x80xf32, #tpu.memory_space<vmem>>)
      "tpu.region"() ({
        %run_scoped3A = tpu.sem_alloc : memref<!tpu.dma_semaphore, #tpu.memory_space<semaphore_mem>>
        %dma_start3A_41 = arith.constant 0 : i32
        %dma_start3A_42 = tpu.memref_slice %arg8[%while3A_30, %dma_start3A_41] : memref<105x128xi32, #tpu.memory_space<vmem>> -> memref<1x128xi32, #tpu.memory_space<vmem>>
        %dma_start3A_43 = tpu.memref_squeeze %dma_start3A_42 : memref<1x128xi32, #tpu.memory_space<vmem>> -> memref<128xi32, #tpu.memory_space<vmem>>
        %dma_start3A_44 = arith.constant 0 : i32
        %dma_start3A_45 = arith.constant 0 : i32
        %dma_start3A_46 = tpu.memref_slice %arg10[%dma_start3A_44, %dma_start3A_45] : memref<10512x80xf32, #tpu.memory_space<vmem_shared>> -> memref<10512x80xf32, #tpu.memory_space<vmem_shared>>
        tpu.enqueue_indirect_dma source(%arg9 : memref<128x80xf32, #tpu.memory_space<vmem>>) target(%dma_start3A_46 : memref<10512x80xf32, #tpu.memory_space<vmem_shared>>) offsets(%dma_start3A_43 : memref<128xi32, #tpu.memory_space<vmem>>) semaphore(%run_scoped3A : memref<!tpu.dma_semaphore, #tpu.memory_space<semaphore_mem>>) {add = true}
        %dma_wait3A_47 = arith.constant 0 : i32
        %dma_wait3A_48 = tpu.memref_slice %arg8[%while3A_30, %dma_wait3A_47] : memref<105x128xi32, #tpu.memory_space<vmem>> -> memref<1x128xi32, #tpu.memory_space<vmem>>
        %dma_wait3A_49 = tpu.memref_squeeze %dma_wait3A_48 : memref<1x128xi32, #tpu.memory_space<vmem>> -> memref<128xi32, #tpu.memory_space<vmem>>
        %dma_wait3A_50 = arith.constant 0 : i32
        %dma_wait3A_51 = arith.constant 0 : i32
        %dma_wait3A_52 = tpu.memref_slice %arg10[%dma_wait3A_50, %dma_wait3A_51] : memref<10512x80xf32, #tpu.memory_space<vmem_shared>> -> memref<10512x80xf32, #tpu.memory_space<vmem_shared>>
        tpu.wait_indirect_dma semaphore(%run_scoped3A : memref<!tpu.dma_semaphore, #tpu.memory_space<semaphore_mem>>) src(%arg9 : memref<128x80xf32, #tpu.memory_space<vmem>>) dst(%dma_wait3A_52 : memref<10512x80xf32, #tpu.memory_space<vmem_shared>>)
        tpu.yield
      }) : () -> ()
    }
    %barrier3A_19 = arith.constant 0 : index
    tpu.barrier barrier_id(%barrier3A_19)
    %lt3A_20 = arith.constant 15 : i32
    %lt3A_21 = arith.cmpi slt, %arg1, %lt3A_20 : i32
    %convert_element_type3A_22 = arith.extui %lt3A_21 : i1 to i32
    %cond3A_23 = arith.constant 0 : i32
    %cond3A_24 = arith.cmpi ne, %convert_element_type3A_22, %cond3A_23 : i32
    scf.if %cond3A_24 {
      %mul3A_30 = arith.constant 632 : i32
      %mul3A_31 = arith.muli %arg1, %mul3A_30 : i32
      %mul3A_32 = arith.constant 632 : i32
      %mul3A_33 = arith.muli %arg1, %mul3A_32 : i32
      "tpu.region"() ({
        %run_scoped3A = tpu.sem_alloc : memref<!tpu.dma_semaphore, #tpu.memory_space<semaphore_mem>>
        %dma_start3A = arith.constant 0 : i32
        %dma_start3A_34 = tpu.memref_slice %arg6[%arg0, %mul3A_33, %dma_start3A] : memref<2x10000x80xf32, #tpu.memory_space<hbm>> -> memref<1x632x80xf32, #tpu.memory_space<hbm>>
        %dma_start3A_35 = tpu.memref_squeeze %dma_start3A_34 : memref<1x632x80xf32, #tpu.memory_space<hbm>> -> memref<632x80xf32, #tpu.memory_space<hbm>>
        %dma_start3A_36 = arith.constant 0 : i32
        %dma_start3A_37 = tpu.memref_slice %arg10[%mul3A_31, %dma_start3A_36] : memref<10512x80xf32, #tpu.memory_space<vmem_shared>> -> memref<632x80xf32, #tpu.memory_space<vmem_shared>>
        tpu.enqueue_dma source(%dma_start3A_37 : memref<632x80xf32, #tpu.memory_space<vmem_shared>>) target(%dma_start3A_35 : memref<632x80xf32, #tpu.memory_space<hbm>>) target_semaphore(%run_scoped3A : memref<!tpu.dma_semaphore, #tpu.memory_space<semaphore_mem>>)
        %dma_wait3A = arith.constant 0 : i32
        %dma_wait3A_38 = tpu.memref_slice %arg6[%arg0, %mul3A_33, %dma_wait3A] : memref<2x10000x80xf32, #tpu.memory_space<hbm>> -> memref<1x632x80xf32, #tpu.memory_space<hbm>>
        %dma_wait3A_39 = tpu.memref_squeeze %dma_wait3A_38 : memref<1x632x80xf32, #tpu.memory_space<hbm>> -> memref<632x80xf32, #tpu.memory_space<hbm>>
        %dma_wait3A_40 = arith.constant 0 : i32
        %dma_wait3A_41 = tpu.memref_slice %arg10[%mul3A_31, %dma_wait3A_40] : memref<10512x80xf32, #tpu.memory_space<vmem_shared>> -> memref<632x80xf32, #tpu.memory_space<vmem_shared>>
        tpu.wait_dma2 semaphore(%run_scoped3A : memref<!tpu.dma_semaphore, #tpu.memory_space<semaphore_mem>>) src(%dma_wait3A_41 : memref<632x80xf32, #tpu.memory_space<vmem_shared>>) dst(%dma_wait3A_39 : memref<632x80xf32, #tpu.memory_space<hbm>>)
        tpu.yield
      }) : () -> ()
    } else {
    }
    %eq3A_25 = arith.constant 15 : i32
    %eq3A_26 = arith.cmpi eq, %arg1, %eq3A_25 : i32
    %convert_element_type3A_27 = arith.extui %eq3A_26 : i1 to i32
    %cond3A_28 = arith.constant 0 : i32
    %cond3A_29 = arith.cmpi ne, %convert_element_type3A_27, %cond3A_28 : i32
    scf.if %cond3A_29 {
      "tpu.region"() ({
        %run_scoped3A = tpu.sem_alloc : memref<!tpu.dma_semaphore, #tpu.memory_space<semaphore_mem>>
        %dma_start3A = arith.constant 9480 : i32
        %dma_start3A_30 = arith.constant 0 : i32
        %dma_start3A_31 = tpu.memref_slice %arg6[%arg0, %dma_start3A, %dma_start3A_30] : memref<2x10000x80xf32, #tpu.memory_space<hbm>> -> memref<1x520x80xf32, #tpu.memory_space<hbm>>
        %dma_start3A_32 = tpu.memref_squeeze %dma_start3A_31 : memref<1x520x80xf32, #tpu.memory_space<hbm>> -> memref<520x80xf32, #tpu.memory_space<hbm>>
        %dma_start3A_33 = arith.constant 9480 : i32
        %dma_start3A_34 = arith.constant 0 : i32
        %dma_start3A_35 = tpu.memref_slice %arg10[%dma_start3A_33, %dma_start3A_34] : memref<10512x80xf32, #tpu.memory_space<vmem_shared>> -> memref<520x80xf32, #tpu.memory_space<vmem_shared>>
        tpu.enqueue_dma source(%dma_start3A_35 : memref<520x80xf32, #tpu.memory_space<vmem_shared>>) target(%dma_start3A_32 : memref<520x80xf32, #tpu.memory_space<hbm>>) target_semaphore(%run_scoped3A : memref<!tpu.dma_semaphore, #tpu.memory_space<semaphore_mem>>)
        %dma_wait3A = arith.constant 9480 : i32
        %dma_wait3A_36 = arith.constant 0 : i32
        %dma_wait3A_37 = tpu.memref_slice %arg6[%arg0, %dma_wait3A, %dma_wait3A_36] : memref<2x10000x80xf32, #tpu.memory_space<hbm>> -> memref<1x520x80xf32, #tpu.memory_space<hbm>>
        %dma_wait3A_38 = tpu.memref_squeeze %dma_wait3A_37 : memref<1x520x80xf32, #tpu.memory_space<hbm>> -> memref<520x80xf32, #tpu.memory_space<hbm>>
        %dma_wait3A_39 = arith.constant 9480 : i32
        %dma_wait3A_40 = arith.constant 0 : i32
        %dma_wait3A_41 = tpu.memref_slice %arg10[%dma_wait3A_39, %dma_wait3A_40] : memref<10512x80xf32, #tpu.memory_space<vmem_shared>> -> memref<520x80xf32, #tpu.memory_space<vmem_shared>>
        tpu.wait_dma2 semaphore(%run_scoped3A : memref<!tpu.dma_semaphore, #tpu.memory_space<semaphore_mem>>) src(%dma_wait3A_41 : memref<520x80xf32, #tpu.memory_space<vmem_shared>>) dst(%dma_wait3A_38 : memref<520x80xf32, #tpu.memory_space<hbm>>)
        tpu.yield
      }) : () -> ()
    } else {
    }
    return
  }
}

#map = affine_map<(d0, d1) -> (0, 0)>
#map1 = affine_map<(d0, d1) -> (0, 0, 0)>
module attributes {stable_mosaic.version = 14 : i64} {
  func.func @phase(%arg0: i32, %arg1: i32, %arg2: memref<10000x80xf32, #tpu.memory_space<hbm>>, %arg3: memref<32x105x128xi32, #tpu.memory_space<hbm>>, %arg4: memref<32x105x128xi32, #tpu.memory_space<hbm>>, %arg5: memref<10512x80xf32, #tpu.memory_space<hbm>>, %arg6: memref<2x10000x80xf32, #tpu.memory_space<hbm>>, %arg7: memref<105x128xi32, #tpu.memory_space<vmem>>, %arg8: memref<105x128xi32, #tpu.memory_space<vmem>>, %arg9: memref<128x80xf32, #tpu.memory_space<vmem>>, %arg10: memref<10512x80xf32, #tpu.memory_space<vmem_shared>>, %arg11: memref<!tpu.dma_semaphore, #tpu.memory_space<semaphore_mem>>) attributes {dimension_semantics = [#tpu.dimension_semantics<core_parallel>, #tpu.dimension_semantics<subcore_parallel>], iteration_bounds = array<i64: 2, 16>, scalar_prefetch = 0 : i64, scratch_operands = 5 : i64, tpu.core_type = #tpu.core_type<sc_vector_subcore>, window_params = [{transform_indices = #map}, {transform_indices = #map1}, {transform_indices = #map1}, {transform_indices = #map}, {transform_indices = #map1}]} {
    %lt3A = arith.constant 15 : i32
    %lt3A_0 = arith.cmpi slt, %arg1, %lt3A : i32
    %convert_element_type3A = arith.extui %lt3A_0 : i1 to i32
    %cond3A = arith.constant 0 : i32
    %cond3A_1 = arith.cmpi ne, %convert_element_type3A, %cond3A : i32
    scf.if %cond3A_1 {
      %mul3A_30 = arith.constant 664 : i32
      %mul3A_31 = arith.muli %arg1, %mul3A_30 : i32
      %mul3A_32 = arith.constant 664 : i32
      %mul3A_33 = arith.muli %arg1, %mul3A_32 : i32
      "tpu.region"() ({
        %run_scoped3A = tpu.sem_alloc : memref<!tpu.dma_semaphore, #tpu.memory_space<semaphore_mem>>
        %dma_start3A = arith.constant 0 : i32
        %dma_start3A_34 = tpu.memref_slice %arg10[%mul3A_33, %dma_start3A] : memref<10512x80xf32, #tpu.memory_space<vmem_shared>> -> memref<664x80xf32, #tpu.memory_space<vmem_shared>>
        %dma_start3A_35 = arith.constant 0 : i32
        %dma_start3A_36 = tpu.memref_slice %arg5[%mul3A_31, %dma_start3A_35] : memref<10512x80xf32, #tpu.memory_space<hbm>> -> memref<664x80xf32, #tpu.memory_space<hbm>>
        tpu.enqueue_dma source(%dma_start3A_36 : memref<664x80xf32, #tpu.memory_space<hbm>>) target(%dma_start3A_34 : memref<664x80xf32, #tpu.memory_space<vmem_shared>>) target_semaphore(%run_scoped3A : memref<!tpu.dma_semaphore, #tpu.memory_space<semaphore_mem>>)
        %dma_wait3A = arith.constant 0 : i32
        %dma_wait3A_37 = tpu.memref_slice %arg10[%mul3A_33, %dma_wait3A] : memref<10512x80xf32, #tpu.memory_space<vmem_shared>> -> memref<664x80xf32, #tpu.memory_space<vmem_shared>>
        %dma_wait3A_38 = arith.constant 0 : i32
        %dma_wait3A_39 = tpu.memref_slice %arg5[%mul3A_31, %dma_wait3A_38] : memref<10512x80xf32, #tpu.memory_space<hbm>> -> memref<664x80xf32, #tpu.memory_space<hbm>>
        tpu.wait_dma2 semaphore(%run_scoped3A : memref<!tpu.dma_semaphore, #tpu.memory_space<semaphore_mem>>) src(%dma_wait3A_39 : memref<664x80xf32, #tpu.memory_space<hbm>>) dst(%dma_wait3A_37 : memref<664x80xf32, #tpu.memory_space<vmem_shared>>)
        tpu.yield
      }) : () -> ()
    } else {
    }
    %eq3A = arith.constant 15 : i32
    %eq3A_2 = arith.cmpi eq, %arg1, %eq3A : i32
    %convert_element_type3A_3 = arith.extui %eq3A_2 : i1 to i32
    %cond3A_4 = arith.constant 0 : i32
    %cond3A_5 = arith.cmpi ne, %convert_element_type3A_3, %cond3A_4 : i32
    scf.if %cond3A_5 {
      "tpu.region"() ({
        %run_scoped3A = tpu.sem_alloc : memref<!tpu.dma_semaphore, #tpu.memory_space<semaphore_mem>>
        %dma_start3A = arith.constant 9960 : i32
        %dma_start3A_30 = arith.constant 0 : i32
        %dma_start3A_31 = tpu.memref_slice %arg10[%dma_start3A, %dma_start3A_30] : memref<10512x80xf32, #tpu.memory_space<vmem_shared>> -> memref<552x80xf32, #tpu.memory_space<vmem_shared>>
        %dma_start3A_32 = arith.constant 9960 : i32
        %dma_start3A_33 = arith.constant 0 : i32
        %dma_start3A_34 = tpu.memref_slice %arg5[%dma_start3A_32, %dma_start3A_33] : memref<10512x80xf32, #tpu.memory_space<hbm>> -> memref<552x80xf32, #tpu.memory_space<hbm>>
        tpu.enqueue_dma source(%dma_start3A_34 : memref<552x80xf32, #tpu.memory_space<hbm>>) target(%dma_start3A_31 : memref<552x80xf32, #tpu.memory_space<vmem_shared>>) target_semaphore(%run_scoped3A : memref<!tpu.dma_semaphore, #tpu.memory_space<semaphore_mem>>)
        %dma_wait3A = arith.constant 9960 : i32
        %dma_wait3A_35 = arith.constant 0 : i32
        %dma_wait3A_36 = tpu.memref_slice %arg10[%dma_wait3A, %dma_wait3A_35] : memref<10512x80xf32, #tpu.memory_space<vmem_shared>> -> memref<552x80xf32, #tpu.memory_space<vmem_shared>>
        %dma_wait3A_37 = arith.constant 9960 : i32
        %dma_wait3A_38 = arith.constant 0 : i32
        %dma_wait3A_39 = tpu.memref_slice %arg5[%dma_wait3A_37, %dma_wait3A_38] : memref<10512x80xf32, #tpu.memory_space<hbm>> -> memref<552x80xf32, #tpu.memory_space<hbm>>
        tpu.wait_dma2 semaphore(%run_scoped3A : memref<!tpu.dma_semaphore, #tpu.memory_space<semaphore_mem>>) src(%dma_wait3A_39 : memref<552x80xf32, #tpu.memory_space<hbm>>) dst(%dma_wait3A_36 : memref<552x80xf32, #tpu.memory_space<vmem_shared>>)
        tpu.yield
      }) : () -> ()
    } else {
    }
    %mul3A = arith.constant 16 : i32
    %mul3A_6 = arith.muli %arg0, %mul3A : i32
    %add3A = arith.addi %mul3A_6, %arg1 : i32
    "tpu.region"() ({
      %run_scoped3A = tpu.sem_alloc : memref<!tpu.dma_semaphore, #tpu.memory_space<semaphore_mem>>
      %dma_start3A = arith.constant 0 : i32
      %dma_start3A_30 = arith.constant 0 : i32
      %dma_start3A_31 = tpu.memref_slice %arg3[%add3A, %dma_start3A, %dma_start3A_30] : memref<32x105x128xi32, #tpu.memory_space<hbm>> -> memref<1x105x128xi32, #tpu.memory_space<hbm>>
      %dma_start3A_32 = tpu.memref_squeeze %dma_start3A_31 : memref<1x105x128xi32, #tpu.memory_space<hbm>> -> memref<105x128xi32, #tpu.memory_space<hbm>>
      %dma_start3A_33 = arith.constant 0 : i32
      %dma_start3A_34 = arith.constant 0 : i32
      %dma_start3A_35 = tpu.memref_slice %arg3[%add3A, %dma_start3A_33, %dma_start3A_34] : memref<32x105x128xi32, #tpu.memory_space<hbm>> -> memref<1x105x128xi32, #tpu.memory_space<hbm>>
      %dma_start3A_36 = tpu.memref_squeeze %dma_start3A_35 : memref<1x105x128xi32, #tpu.memory_space<hbm>> -> memref<105x128xi32, #tpu.memory_space<hbm>>
      tpu.enqueue_dma source(%dma_start3A_36 : memref<105x128xi32, #tpu.memory_space<hbm>>) target(%arg7 : memref<105x128xi32, #tpu.memory_space<vmem>>) target_semaphore(%run_scoped3A : memref<!tpu.dma_semaphore, #tpu.memory_space<semaphore_mem>>)
      %dma_wait3A = arith.constant 0 : i32
      %dma_wait3A_37 = arith.constant 0 : i32
      %dma_wait3A_38 = tpu.memref_slice %arg3[%add3A, %dma_wait3A, %dma_wait3A_37] : memref<32x105x128xi32, #tpu.memory_space<hbm>> -> memref<1x105x128xi32, #tpu.memory_space<hbm>>
      %dma_wait3A_39 = tpu.memref_squeeze %dma_wait3A_38 : memref<1x105x128xi32, #tpu.memory_space<hbm>> -> memref<105x128xi32, #tpu.memory_space<hbm>>
      %dma_wait3A_40 = arith.constant 0 : i32
      %dma_wait3A_41 = arith.constant 0 : i32
      %dma_wait3A_42 = tpu.memref_slice %arg3[%add3A, %dma_wait3A_40, %dma_wait3A_41] : memref<32x105x128xi32, #tpu.memory_space<hbm>> -> memref<1x105x128xi32, #tpu.memory_space<hbm>>
      %dma_wait3A_43 = tpu.memref_squeeze %dma_wait3A_42 : memref<1x105x128xi32, #tpu.memory_space<hbm>> -> memref<105x128xi32, #tpu.memory_space<hbm>>
      tpu.wait_dma2 semaphore(%run_scoped3A : memref<!tpu.dma_semaphore, #tpu.memory_space<semaphore_mem>>) src(%dma_wait3A_43 : memref<105x128xi32, #tpu.memory_space<hbm>>) dst(%arg7 : memref<105x128xi32, #tpu.memory_space<vmem>>)
      tpu.yield
    }) : () -> ()
    "tpu.region"() ({
      %run_scoped3A = tpu.sem_alloc : memref<!tpu.dma_semaphore, #tpu.memory_space<semaphore_mem>>
      %dma_start3A = arith.constant 0 : i32
      %dma_start3A_30 = arith.constant 0 : i32
      %dma_start3A_31 = tpu.memref_slice %arg4[%add3A, %dma_start3A, %dma_start3A_30] : memref<32x105x128xi32, #tpu.memory_space<hbm>> -> memref<1x105x128xi32, #tpu.memory_space<hbm>>
      %dma_start3A_32 = tpu.memref_squeeze %dma_start3A_31 : memref<1x105x128xi32, #tpu.memory_space<hbm>> -> memref<105x128xi32, #tpu.memory_space<hbm>>
      %dma_start3A_33 = arith.constant 0 : i32
      %dma_start3A_34 = arith.constant 0 : i32
      %dma_start3A_35 = tpu.memref_slice %arg4[%add3A, %dma_start3A_33, %dma_start3A_34] : memref<32x105x128xi32, #tpu.memory_space<hbm>> -> memref<1x105x128xi32, #tpu.memory_space<hbm>>
      %dma_start3A_36 = tpu.memref_squeeze %dma_start3A_35 : memref<1x105x128xi32, #tpu.memory_space<hbm>> -> memref<105x128xi32, #tpu.memory_space<hbm>>
      tpu.enqueue_dma source(%dma_start3A_36 : memref<105x128xi32, #tpu.memory_space<hbm>>) target(%arg8 : memref<105x128xi32, #tpu.memory_space<vmem>>) target_semaphore(%run_scoped3A : memref<!tpu.dma_semaphore, #tpu.memory_space<semaphore_mem>>)
      %dma_wait3A = arith.constant 0 : i32
      %dma_wait3A_37 = arith.constant 0 : i32
      %dma_wait3A_38 = tpu.memref_slice %arg4[%add3A, %dma_wait3A, %dma_wait3A_37] : memref<32x105x128xi32, #tpu.memory_space<hbm>> -> memref<1x105x128xi32, #tpu.memory_space<hbm>>
      %dma_wait3A_39 = tpu.memref_squeeze %dma_wait3A_38 : memref<1x105x128xi32, #tpu.memory_space<hbm>> -> memref<105x128xi32, #tpu.memory_space<hbm>>
      %dma_wait3A_40 = arith.constant 0 : i32
      %dma_wait3A_41 = arith.constant 0 : i32
      %dma_wait3A_42 = tpu.memref_slice %arg4[%add3A, %dma_wait3A_40, %dma_wait3A_41] : memref<32x105x128xi32, #tpu.memory_space<hbm>> -> memref<1x105x128xi32, #tpu.memory_space<hbm>>
      %dma_wait3A_43 = tpu.memref_squeeze %dma_wait3A_42 : memref<1x105x128xi32, #tpu.memory_space<hbm>> -> memref<105x128xi32, #tpu.memory_space<hbm>>
      tpu.wait_dma2 semaphore(%run_scoped3A : memref<!tpu.dma_semaphore, #tpu.memory_space<semaphore_mem>>) src(%dma_wait3A_43 : memref<105x128xi32, #tpu.memory_space<hbm>>) dst(%arg8 : memref<105x128xi32, #tpu.memory_space<vmem>>)
      tpu.yield
    }) : () -> ()
    %barrier3A = arith.constant 0 : index
    tpu.barrier barrier_id(%barrier3A)
    %eq3A_7 = arith.constant 0 : i32
    %eq3A_8 = arith.cmpi eq, %arg0, %eq3A_7 : i32
    %jit3A = arith.constant 105 : i32
    %jit3A_9 = arith.constant 53 : i32
    %select_n3A = arith.select %eq3A_8, %jit3A, %jit3A_9 : i32
    %while3A = arith.constant 0 : i32
    %while3A_10 = arith.constant 0 : i32
    %while3A_11 = arith.subi %select_n3A, %while3A_10 : i32
    %while3A_12 = arith.addi %while3A_10, %while3A_11 : i32
    %while3A_13 = arith.constant 1 : i32
    %while3A_14 = arith.divsi %while3A_11, %while3A_13 : i32
    %while3A_15 = arith.muli %while3A_14, %while3A_13 : i32
    %while3A_16 = arith.addi %while3A_10, %while3A_15 : i32
    %while3A_17 = arith.constant 1 : i32
    scf.for %while3A_30 = %while3A_10 to %while3A_16 step %while3A_17  : i32 {
      %dma_start3A = arith.constant 0 : i32
      %dma_start3A_31 = tpu.memref_slice %arg7[%while3A_30, %dma_start3A] : memref<105x128xi32, #tpu.memory_space<vmem>> -> memref<1x128xi32, #tpu.memory_space<vmem>>
      %dma_start3A_32 = tpu.memref_squeeze %dma_start3A_31 : memref<1x128xi32, #tpu.memory_space<vmem>> -> memref<128xi32, #tpu.memory_space<vmem>>
      %dma_start3A_33 = arith.constant 0 : i32
      %dma_start3A_34 = arith.constant 0 : i32
      %dma_start3A_35 = tpu.memref_slice %arg2[%dma_start3A_33, %dma_start3A_34] : memref<10000x80xf32, #tpu.memory_space<hbm>> -> memref<10000x80xf32, #tpu.memory_space<hbm>>
      tpu.enqueue_indirect_dma source(%dma_start3A_35 : memref<10000x80xf32, #tpu.memory_space<hbm>>) target(%arg9 : memref<128x80xf32, #tpu.memory_space<vmem>>) offsets(%dma_start3A_32 : memref<128xi32, #tpu.memory_space<vmem>>) semaphore(%arg11 : memref<!tpu.dma_semaphore, #tpu.memory_space<semaphore_mem>>)
      %dma_wait3A = arith.constant 0 : i32
      %dma_wait3A_36 = tpu.memref_slice %arg7[%while3A_30, %dma_wait3A] : memref<105x128xi32, #tpu.memory_space<vmem>> -> memref<1x128xi32, #tpu.memory_space<vmem>>
      %dma_wait3A_37 = tpu.memref_squeeze %dma_wait3A_36 : memref<1x128xi32, #tpu.memory_space<vmem>> -> memref<128xi32, #tpu.memory_space<vmem>>
      %dma_wait3A_38 = arith.constant 0 : i32
      %dma_wait3A_39 = arith.constant 0 : i32
      %dma_wait3A_40 = tpu.memref_slice %arg2[%dma_wait3A_38, %dma_wait3A_39] : memref<10000x80xf32, #tpu.memory_space<hbm>> -> memref<10000x80xf32, #tpu.memory_space<hbm>>
      tpu.wait_indirect_dma semaphore(%arg11 : memref<!tpu.dma_semaphore, #tpu.memory_space<semaphore_mem>>) src(%dma_wait3A_40 : memref<10000x80xf32, #tpu.memory_space<hbm>>) dst(%arg9 : memref<128x80xf32, #tpu.memory_space<vmem>>)
      "tpu.region"() ({
        %run_scoped3A = tpu.sem_alloc : memref<!tpu.dma_semaphore, #tpu.memory_space<semaphore_mem>>
        %dma_start3A_41 = arith.constant 0 : i32
        %dma_start3A_42 = tpu.memref_slice %arg8[%while3A_30, %dma_start3A_41] : memref<105x128xi32, #tpu.memory_space<vmem>> -> memref<1x128xi32, #tpu.memory_space<vmem>>
        %dma_start3A_43 = tpu.memref_squeeze %dma_start3A_42 : memref<1x128xi32, #tpu.memory_space<vmem>> -> memref<128xi32, #tpu.memory_space<vmem>>
        %dma_start3A_44 = arith.constant 0 : i32
        %dma_start3A_45 = arith.constant 0 : i32
        %dma_start3A_46 = tpu.memref_slice %arg10[%dma_start3A_44, %dma_start3A_45] : memref<10512x80xf32, #tpu.memory_space<vmem_shared>> -> memref<10512x80xf32, #tpu.memory_space<vmem_shared>>
        tpu.enqueue_indirect_dma source(%arg9 : memref<128x80xf32, #tpu.memory_space<vmem>>) target(%dma_start3A_46 : memref<10512x80xf32, #tpu.memory_space<vmem_shared>>) offsets(%dma_start3A_43 : memref<128xi32, #tpu.memory_space<vmem>>) semaphore(%run_scoped3A : memref<!tpu.dma_semaphore, #tpu.memory_space<semaphore_mem>>) {add = true}
        %dma_wait3A_47 = arith.constant 0 : i32
        %dma_wait3A_48 = tpu.memref_slice %arg8[%while3A_30, %dma_wait3A_47] : memref<105x128xi32, #tpu.memory_space<vmem>> -> memref<1x128xi32, #tpu.memory_space<vmem>>
        %dma_wait3A_49 = tpu.memref_squeeze %dma_wait3A_48 : memref<1x128xi32, #tpu.memory_space<vmem>> -> memref<128xi32, #tpu.memory_space<vmem>>
        %dma_wait3A_50 = arith.constant 0 : i32
        %dma_wait3A_51 = arith.constant 0 : i32
        %dma_wait3A_52 = tpu.memref_slice %arg10[%dma_wait3A_50, %dma_wait3A_51] : memref<10512x80xf32, #tpu.memory_space<vmem_shared>> -> memref<10512x80xf32, #tpu.memory_space<vmem_shared>>
        tpu.wait_indirect_dma semaphore(%run_scoped3A : memref<!tpu.dma_semaphore, #tpu.memory_space<semaphore_mem>>) src(%arg9 : memref<128x80xf32, #tpu.memory_space<vmem>>) dst(%dma_wait3A_52 : memref<10512x80xf32, #tpu.memory_space<vmem_shared>>)
        tpu.yield
      }) : () -> ()
    }
    %while3A_18 = arith.constant 1 : i32
    scf.for %while3A_30 = %while3A_16 to %while3A_12 step %while3A_18  : i32 {
      %dma_start3A = arith.constant 0 : i32
      %dma_start3A_31 = tpu.memref_slice %arg7[%while3A_30, %dma_start3A] : memref<105x128xi32, #tpu.memory_space<vmem>> -> memref<1x128xi32, #tpu.memory_space<vmem>>
      %dma_start3A_32 = tpu.memref_squeeze %dma_start3A_31 : memref<1x128xi32, #tpu.memory_space<vmem>> -> memref<128xi32, #tpu.memory_space<vmem>>
      %dma_start3A_33 = arith.constant 0 : i32
      %dma_start3A_34 = arith.constant 0 : i32
      %dma_start3A_35 = tpu.memref_slice %arg2[%dma_start3A_33, %dma_start3A_34] : memref<10000x80xf32, #tpu.memory_space<hbm>> -> memref<10000x80xf32, #tpu.memory_space<hbm>>
      tpu.enqueue_indirect_dma source(%dma_start3A_35 : memref<10000x80xf32, #tpu.memory_space<hbm>>) target(%arg9 : memref<128x80xf32, #tpu.memory_space<vmem>>) offsets(%dma_start3A_32 : memref<128xi32, #tpu.memory_space<vmem>>) semaphore(%arg11 : memref<!tpu.dma_semaphore, #tpu.memory_space<semaphore_mem>>)
      %dma_wait3A = arith.constant 0 : i32
      %dma_wait3A_36 = tpu.memref_slice %arg7[%while3A_30, %dma_wait3A] : memref<105x128xi32, #tpu.memory_space<vmem>> -> memref<1x128xi32, #tpu.memory_space<vmem>>
      %dma_wait3A_37 = tpu.memref_squeeze %dma_wait3A_36 : memref<1x128xi32, #tpu.memory_space<vmem>> -> memref<128xi32, #tpu.memory_space<vmem>>
      %dma_wait3A_38 = arith.constant 0 : i32
      %dma_wait3A_39 = arith.constant 0 : i32
      %dma_wait3A_40 = tpu.memref_slice %arg2[%dma_wait3A_38, %dma_wait3A_39] : memref<10000x80xf32, #tpu.memory_space<hbm>> -> memref<10000x80xf32, #tpu.memory_space<hbm>>
      tpu.wait_indirect_dma semaphore(%arg11 : memref<!tpu.dma_semaphore, #tpu.memory_space<semaphore_mem>>) src(%dma_wait3A_40 : memref<10000x80xf32, #tpu.memory_space<hbm>>) dst(%arg9 : memref<128x80xf32, #tpu.memory_space<vmem>>)
      "tpu.region"() ({
        %run_scoped3A = tpu.sem_alloc : memref<!tpu.dma_semaphore, #tpu.memory_space<semaphore_mem>>
        %dma_start3A_41 = arith.constant 0 : i32
        %dma_start3A_42 = tpu.memref_slice %arg8[%while3A_30, %dma_start3A_41] : memref<105x128xi32, #tpu.memory_space<vmem>> -> memref<1x128xi32, #tpu.memory_space<vmem>>
        %dma_start3A_43 = tpu.memref_squeeze %dma_start3A_42 : memref<1x128xi32, #tpu.memory_space<vmem>> -> memref<128xi32, #tpu.memory_space<vmem>>
        %dma_start3A_44 = arith.constant 0 : i32
        %dma_start3A_45 = arith.constant 0 : i32
        %dma_start3A_46 = tpu.memref_slice %arg10[%dma_start3A_44, %dma_start3A_45] : memref<10512x80xf32, #tpu.memory_space<vmem_shared>> -> memref<10512x80xf32, #tpu.memory_space<vmem_shared>>
        tpu.enqueue_indirect_dma source(%arg9 : memref<128x80xf32, #tpu.memory_space<vmem>>) target(%dma_start3A_46 : memref<10512x80xf32, #tpu.memory_space<vmem_shared>>) offsets(%dma_start3A_43 : memref<128xi32, #tpu.memory_space<vmem>>) semaphore(%run_scoped3A : memref<!tpu.dma_semaphore, #tpu.memory_space<semaphore_mem>>) {add = true}
        %dma_wait3A_47 = arith.constant 0 : i32
        %dma_wait3A_48 = tpu.memref_slice %arg8[%while3A_30, %dma_wait3A_47] : memref<105x128xi32, #tpu.memory_space<vmem>> -> memref<1x128xi32, #tpu.memory_space<vmem>>
        %dma_wait3A_49 = tpu.memref_squeeze %dma_wait3A_48 : memref<1x128xi32, #tpu.memory_space<vmem>> -> memref<128xi32, #tpu.memory_space<vmem>>
        %dma_wait3A_50 = arith.constant 0 : i32
        %dma_wait3A_51 = arith.constant 0 : i32
        %dma_wait3A_52 = tpu.memref_slice %arg10[%dma_wait3A_50, %dma_wait3A_51] : memref<10512x80xf32, #tpu.memory_space<vmem_shared>> -> memref<10512x80xf32, #tpu.memory_space<vmem_shared>>
        tpu.wait_indirect_dma semaphore(%run_scoped3A : memref<!tpu.dma_semaphore, #tpu.memory_space<semaphore_mem>>) src(%arg9 : memref<128x80xf32, #tpu.memory_space<vmem>>) dst(%dma_wait3A_52 : memref<10512x80xf32, #tpu.memory_space<vmem_shared>>)
        tpu.yield
      }) : () -> ()
    }
    %barrier3A_19 = arith.constant 0 : index
    tpu.barrier barrier_id(%barrier3A_19)
    %lt3A_20 = arith.constant 15 : i32
    %lt3A_21 = arith.cmpi slt, %arg1, %lt3A_20 : i32
    %convert_element_type3A_22 = arith.extui %lt3A_21 : i1 to i32
    %cond3A_23 = arith.constant 0 : i32
    %cond3A_24 = arith.cmpi ne, %convert_element_type3A_22, %cond3A_23 : i32
    scf.if %cond3A_24 {
      %mul3A_30 = arith.constant 632 : i32
      %mul3A_31 = arith.muli %arg1, %mul3A_30 : i32
      %mul3A_32 = arith.constant 632 : i32
      %mul3A_33 = arith.muli %arg1, %mul3A_32 : i32
      "tpu.region"() ({
        %run_scoped3A = tpu.sem_alloc : memref<!tpu.dma_semaphore, #tpu.memory_space<semaphore_mem>>
        %dma_start3A = arith.constant 0 : i32
        %dma_start3A_34 = tpu.memref_slice %arg6[%arg0, %mul3A_33, %dma_start3A] : memref<2x10000x80xf32, #tpu.memory_space<hbm>> -> memref<1x632x80xf32, #tpu.memory_space<hbm>>
        %dma_start3A_35 = tpu.memref_squeeze %dma_start3A_34 : memref<1x632x80xf32, #tpu.memory_space<hbm>> -> memref<632x80xf32, #tpu.memory_space<hbm>>
        %dma_start3A_36 = arith.constant 0 : i32
        %dma_start3A_37 = tpu.memref_slice %arg10[%mul3A_31, %dma_start3A_36] : memref<10512x80xf32, #tpu.memory_space<vmem_shared>> -> memref<632x80xf32, #tpu.memory_space<vmem_shared>>
        tpu.enqueue_dma source(%dma_start3A_37 : memref<632x80xf32, #tpu.memory_space<vmem_shared>>) target(%dma_start3A_35 : memref<632x80xf32, #tpu.memory_space<hbm>>) target_semaphore(%run_scoped3A : memref<!tpu.dma_semaphore, #tpu.memory_space<semaphore_mem>>)
        %dma_wait3A = arith.constant 0 : i32
        %dma_wait3A_38 = tpu.memref_slice %arg6[%arg0, %mul3A_33, %dma_wait3A] : memref<2x10000x80xf32, #tpu.memory_space<hbm>> -> memref<1x632x80xf32, #tpu.memory_space<hbm>>
        %dma_wait3A_39 = tpu.memref_squeeze %dma_wait3A_38 : memref<1x632x80xf32, #tpu.memory_space<hbm>> -> memref<632x80xf32, #tpu.memory_space<hbm>>
        %dma_wait3A_40 = arith.constant 0 : i32
        %dma_wait3A_41 = tpu.memref_slice %arg10[%mul3A_31, %dma_wait3A_40] : memref<10512x80xf32, #tpu.memory_space<vmem_shared>> -> memref<632x80xf32, #tpu.memory_space<vmem_shared>>
        tpu.wait_dma2 semaphore(%run_scoped3A : memref<!tpu.dma_semaphore, #tpu.memory_space<semaphore_mem>>) src(%dma_wait3A_41 : memref<632x80xf32, #tpu.memory_space<vmem_shared>>) dst(%dma_wait3A_39 : memref<632x80xf32, #tpu.memory_space<hbm>>)
        tpu.yield
      }) : () -> ()
    } else {
    }
    %eq3A_25 = arith.constant 15 : i32
    %eq3A_26 = arith.cmpi eq, %arg1, %eq3A_25 : i32
    %convert_element_type3A_27 = arith.extui %eq3A_26 : i1 to i32
    %cond3A_28 = arith.constant 0 : i32
    %cond3A_29 = arith.cmpi ne, %convert_element_type3A_27, %cond3A_28 : i32
    scf.if %cond3A_29 {
      "tpu.region"() ({
        %run_scoped3A = tpu.sem_alloc : memref<!tpu.dma_semaphore, #tpu.memory_space<semaphore_mem>>
        %dma_start3A = arith.constant 9480 : i32
        %dma_start3A_30 = arith.constant 0 : i32
        %dma_start3A_31 = tpu.memref_slice %arg6[%arg0, %dma_start3A, %dma_start3A_30] : memref<2x10000x80xf32, #tpu.memory_space<hbm>> -> memref<1x520x80xf32, #tpu.memory_space<hbm>>
        %dma_start3A_32 = tpu.memref_squeeze %dma_start3A_31 : memref<1x520x80xf32, #tpu.memory_space<hbm>> -> memref<520x80xf32, #tpu.memory_space<hbm>>
        %dma_start3A_33 = arith.constant 9480 : i32
        %dma_start3A_34 = arith.constant 0 : i32
        %dma_start3A_35 = tpu.memref_slice %arg10[%dma_start3A_33, %dma_start3A_34] : memref<10512x80xf32, #tpu.memory_space<vmem_shared>> -> memref<520x80xf32, #tpu.memory_space<vmem_shared>>
        tpu.enqueue_dma source(%dma_start3A_35 : memref<520x80xf32, #tpu.memory_space<vmem_shared>>) target(%dma_start3A_32 : memref<520x80xf32, #tpu.memory_space<hbm>>) target_semaphore(%run_scoped3A : memref<!tpu.dma_semaphore, #tpu.memory_space<semaphore_mem>>)
        %dma_wait3A = arith.constant 9480 : i32
        %dma_wait3A_36 = arith.constant 0 : i32
        %dma_wait3A_37 = tpu.memref_slice %arg6[%arg0, %dma_wait3A, %dma_wait3A_36] : memref<2x10000x80xf32, #tpu.memory_space<hbm>> -> memref<1x520x80xf32, #tpu.memory_space<hbm>>
        %dma_wait3A_38 = tpu.memref_squeeze %dma_wait3A_37 : memref<1x520x80xf32, #tpu.memory_space<hbm>> -> memref<520x80xf32, #tpu.memory_space<hbm>>
        %dma_wait3A_39 = arith.constant 9480 : i32
        %dma_wait3A_40 = arith.constant 0 : i32
        %dma_wait3A_41 = tpu.memref_slice %arg10[%dma_wait3A_39, %dma_wait3A_40] : memref<10512x80xf32, #tpu.memory_space<vmem_shared>> -> memref<520x80xf32, #tpu.memory_space<vmem_shared>>
        tpu.wait_dma2 semaphore(%run_scoped3A : memref<!tpu.dma_semaphore, #tpu.memory_space<semaphore_mem>>) src(%dma_wait3A_41 : memref<520x80xf32, #tpu.memory_space<vmem_shared>>) dst(%dma_wait3A_38 : memref<520x80xf32, #tpu.memory_space<hbm>>)
        tpu.yield
      }) : () -> ()
    } else {
    }
    return
  }
}

module attributes {stable_mosaic.version = 14 : i64} {
  func.func @body(%arg0: i32, %arg1: memref<1000x128xf32, #tpu.memory_space<vmem>>, %arg2: memref<128x80xf32, #tpu.memory_space<vmem>>, %arg3: memref<1000x80xf32, #tpu.memory_space<vmem>>) attributes {dimension_semantics = [#tpu.dimension_semantics<arbitrary>], iteration_bounds = array<i64: 10>, scalar_prefetch = 0 : i64, scratch_operands = 0 : i64, tpu.core_type = #tpu.core_type<tc>, window_params = [{transform_indices = @transform_0, window_bounds = array<i64: 1000, 128>}, {pipeline_mode = #tpu.pipeline_mode<synchronous>, transform_indices = @transform_1, window_bounds = array<i64: 128, 80>}, {transform_indices = @transform_2, window_bounds = array<i64: 1000, 80>}]} {
    %get3A = arith.constant 0 : index
    %get3A_0 = arith.constant 0 : index
    %get3A_1 = vector.load %arg1[%get3A, %get3A_0] : memref<1000x128xf32, #tpu.memory_space<vmem>>, vector<1000x128xf32>
    %get3A_2 = arith.constant 0 : index
    %get3A_3 = arith.constant 0 : index
    %get3A_4 = vector.load %arg2[%get3A_2, %get3A_3] : memref<128x80xf32, #tpu.memory_space<vmem>>, vector<128x80xf32>
    %dot_general3A = arith.constant dense<0.000000e+00> : vector<1000x80xf32>
    %dot_general3A_5 = tpu.matmul %get3A_1, %get3A_4, %dot_general3A {dimension_numbers = #tpu.dot_dimension_numbers<[1], [0], [0], [1], [0, 0, 1, 1], [], []>, transpose_lhs_hint = false} : vector<1000x128xf32>, vector<128x80xf32>, vector<1000x80xf32> -> vector<1000x80xf32>
    %iota3A = tpu.iota {dimensions = array<i32: 1>} : vector<1x80xi32>
    %eq3A = arith.constant 64 : i32
    %eq3A_6 = vector.broadcast %eq3A : i32 to vector<1x80xi32>
    %eq3A_7 = arith.cmpi eq, %iota3A, %eq3A_6 : vector<1x80xi32>
    %convert_element_type3A = arith.extui %eq3A_7 : vector<1x80xi1> to vector<1x80xi32>
    %convert_element_type3A_8 = arith.sitofp %convert_element_type3A : vector<1x80xi32> to vector<1x80xf32>
    %add3A = vector.broadcast %convert_element_type3A_8 : vector<1x80xf32> to vector<1000x80xf32>
    %add3A_9 = arith.addf %dot_general3A_5, %add3A : vector<1000x80xf32>
    %swap3A = arith.constant 0 : index
    %swap3A_10 = arith.constant 0 : index
    %swap3A_11 = vector.load %arg3[%swap3A, %swap3A_10] : memref<1000x80xf32, #tpu.memory_space<vmem>>, vector<1000x80xf32>
    tpu.vector_store %arg3[%swap3A, %swap3A_10], %add3A_9 {strides = array<i32>} : memref<1000x80xf32, #tpu.memory_space<vmem>>, vector<1000x80xf32>,
    return
  }
  func.func @transform_0(%arg0: i32) -> (i32, i32) {
    %c0_i32 = arith.constant 0 : i32
    %c0_i32_0 = arith.constant 0 : i32
    return %arg0, %c0_i32 : i32, i32
  }
  func.func @transform_1(%arg0: i32) -> (i32, i32) {
    %c0_i32 = arith.constant 0 : i32
    %c0_i32_0 = arith.constant 0 : i32
    %c0_i32_1 = arith.constant 0 : i32
    return %c0_i32, %c0_i32_0 : i32, i32
  }
  func.func @transform_2(%arg0: i32) -> (i32, i32) {
    %c0_i32 = arith.constant 0 : i32
    %c0_i32_0 = arith.constant 0 : i32
    return %arg0, %c0_i32 : i32, i32
  }
}

module attributes {stable_mosaic.version = 14 : i64} {
  func.func @body(%arg0: i32, %arg1: memref<1000x80xf32, #tpu.memory_space<vmem>>, %arg2: memref<1000x80xf32, #tpu.memory_space<vmem>>, %arg3: memref<1000x80xf32, #tpu.memory_space<vmem>>, %arg4: memref<1000x80xf32, #tpu.memory_space<vmem>>, %arg5: memref<1000x80xf32, #tpu.memory_space<vmem>>) attributes {dimension_semantics = [#tpu.dimension_semantics<arbitrary>], iteration_bounds = array<i64: 10>, scalar_prefetch = 0 : i64, scratch_operands = 0 : i64, tpu.core_type = #tpu.core_type<tc>, window_params = [{transform_indices = @transform_0, window_bounds = array<i64: 1000, 80>}, {transform_indices = @transform_1, window_bounds = array<i64: 1000, 80>}, {transform_indices = @transform_2, window_bounds = array<i64: 1000, 80>}, {transform_indices = @transform_3, window_bounds = array<i64: 1000, 80>}, {transform_indices = @transform_4, window_bounds = array<i64: 1000, 80>}]} {
    %get3A = arith.constant 0 : index
    %get3A_0 = arith.constant 0 : index
    %get3A_1 = vector.load %arg1[%get3A, %get3A_0] : memref<1000x80xf32, #tpu.memory_space<vmem>>, vector<1000x80xf32>
    %get3A_2 = arith.constant 0 : index
    %get3A_3 = arith.constant 0 : index
    %get3A_4 = vector.load %arg2[%get3A_2, %get3A_3] : memref<1000x80xf32, #tpu.memory_space<vmem>>, vector<1000x80xf32>
    %add3A = arith.addf %get3A_1, %get3A_4 : vector<1000x80xf32>
    %get3A_5 = arith.constant 0 : index
    %get3A_6 = arith.constant 64 : index
    %get3A_7 = vector.load %arg3[%get3A_5, %get3A_6] : memref<1000x80xf32, #tpu.memory_space<vmem>>, vector<1000x1xf32>
    %get3A_8 = arith.constant 0 : index
    %get3A_9 = arith.constant 64 : index
    %get3A_10 = vector.load %arg4[%get3A_8, %get3A_9] : memref<1000x80xf32, #tpu.memory_space<vmem>>, vector<1000x1xf32>
    %add3A_11 = arith.addf %get3A_7, %get3A_10 : vector<1000x1xf32>
    %gt3A = arith.constant 0.000000e+00 : f32
    %gt3A_12 = vector.broadcast %gt3A : f32 to vector<1000x1xf32>
    %gt3A_13 = arith.cmpf ogt, %add3A_11, %gt3A_12 : vector<1000x1xf32>
    %gt3A_14 = arith.constant 0.000000e+00 : f32
    %gt3A_15 = vector.broadcast %gt3A_14 : f32 to vector<1000x1xf32>
    %gt3A_16 = arith.cmpf ogt, %add3A_11, %gt3A_15 : vector<1000x1xf32>
    %jit3A = arith.constant 1.000000e+00 : f32
    %broadcast_in_dim3A = vector.broadcast %jit3A : f32 to vector<1000x1xf32>
    %select_n3A = arith.select %gt3A_16, %add3A_11, %broadcast_in_dim3A : vector<1000x1xi1>, vector<1000x1xf32>
    %div3A = arith.constant 1.000000e+00 : f32
    %div3A_17 = vector.broadcast %div3A : f32 to vector<1000x1xf32>
    %div3A_18 = arith.divf %div3A_17, %select_n3A : vector<1000x1xf32>
    %jit3A_19 = arith.constant 0.000000e+00 : f32
    %broadcast_in_dim3A_20 = vector.broadcast %jit3A_19 : f32 to vector<1000x1xf32>
    %select_n3A_21 = arith.select %gt3A_13, %div3A_18, %broadcast_in_dim3A_20 : vector<1000x1xi1>, vector<1000x1xf32>
    %mul3A = vector.broadcast %select_n3A_21 : vector<1000x1xf32> to vector<1000x80xf32>
    %mul3A_22 = arith.mulf %mul3A, %add3A : vector<1000x80xf32>
    %swap3A = arith.constant 0 : index
    %swap3A_23 = arith.constant 0 : index
    %swap3A_24 = vector.load %arg5[%swap3A, %swap3A_23] : memref<1000x80xf32, #tpu.memory_space<vmem>>, vector<1000x80xf32>
    tpu.vector_store %arg5[%swap3A, %swap3A_23], %mul3A_22 {strides = array<i32>} : memref<1000x80xf32, #tpu.memory_space<vmem>>, vector<1000x80xf32>,
    return
  }
  func.func @transform_0(%arg0: i32) -> (i32, i32) {
    %c0_i32 = arith.constant 0 : i32
    %c0_i32_0 = arith.constant 0 : i32
    return %arg0, %c0_i32 : i32, i32
  }
  func.func @transform_1(%arg0: i32) -> (i32, i32) {
    %c0_i32 = arith.constant 0 : i32
    %c0_i32_0 = arith.constant 0 : i32
    return %arg0, %c0_i32 : i32, i32
  }
  func.func @transform_2(%arg0: i32) -> (i32, i32) {
    %c0_i32 = arith.constant 0 : i32
    %c0_i32_0 = arith.constant 0 : i32
    return %arg0, %c0_i32 : i32, i32
  }
  func.func @transform_3(%arg0: i32) -> (i32, i32) {
    %c0_i32 = arith.constant 0 : i32
    %c0_i32_0 = arith.constant 0 : i32
    return %arg0, %c0_i32 : i32, i32
  }
  func.func @transform_4(%arg0: i32) -> (i32, i32) {
    %c0_i32 = arith.constant 0 : i32
    %c0_i32_0 = arith.constant 0 : i32
    return %arg0, %c0_i32 : i32, i32
  }
}

module attributes {stable_mosaic.version = 14 : i64} {
  func.func @body(%arg0: i32, %arg1: memref<1000x80xf32, #tpu.memory_space<vmem>>, %arg2: memref<1000x80xf32, #tpu.memory_space<vmem>>, %arg3: memref<1x64xf32, #tpu.memory_space<vmem>>, %arg4: memref<64x80xf32, #tpu.memory_space<vmem>>, %arg5: memref<1000x80xf32, #tpu.memory_space<vmem>>) attributes {dimension_semantics = [#tpu.dimension_semantics<arbitrary>], iteration_bounds = array<i64: 10>, scalar_prefetch = 0 : i64, scratch_operands = 0 : i64, tpu.core_type = #tpu.core_type<tc>, window_params = [{transform_indices = @transform_0, window_bounds = array<i64: 1000, 80>}, {transform_indices = @transform_1, window_bounds = array<i64: 1000, 80>}, {pipeline_mode = #tpu.pipeline_mode<synchronous>, transform_indices = @transform_2, window_bounds = array<i64: 1, 64>}, {pipeline_mode = #tpu.pipeline_mode<synchronous>, transform_indices = @transform_3, window_bounds = array<i64: 64, 80>}, {transform_indices = @transform_4, window_bounds = array<i64: 1000, 80>}]} {
    %get3A = arith.constant 0 : index
    %get3A_0 = arith.constant 0 : index
    %get3A_1 = vector.load %arg1[%get3A, %get3A_0] : memref<1000x80xf32, #tpu.memory_space<vmem>>, vector<1000x80xf32>
    %get3A_2 = arith.constant 0 : index
    %get3A_3 = arith.constant 0 : index
    %get3A_4 = vector.load %arg2[%get3A_2, %get3A_3] : memref<1000x80xf32, #tpu.memory_space<vmem>>, vector<1000x80xf32>
    %add3A = arith.addf %get3A_1, %get3A_4 : vector<1000x80xf32>
    %slice3A = vector.extract_strided_slice %add3A {offsets = [0, 64], sizes = [1000, 1], strides = [1, 1]} : vector<1000x80xf32> to vector<1000x1xf32>
    %gt3A = arith.constant 0.000000e+00 : f32
    %gt3A_5 = vector.broadcast %gt3A : f32 to vector<1000x1xf32>
    %gt3A_6 = arith.cmpf ogt, %slice3A, %gt3A_5 : vector<1000x1xf32>
    %gt3A_7 = arith.constant 0.000000e+00 : f32
    %gt3A_8 = vector.broadcast %gt3A_7 : f32 to vector<1000x1xf32>
    %gt3A_9 = arith.cmpf ogt, %slice3A, %gt3A_8 : vector<1000x1xf32>
    %jit3A = arith.constant 1.000000e+00 : f32
    %broadcast_in_dim3A = vector.broadcast %jit3A : f32 to vector<1000x1xf32>
    %select_n3A = arith.select %gt3A_9, %slice3A, %broadcast_in_dim3A : vector<1000x1xi1>, vector<1000x1xf32>
    %div3A = arith.constant 1.000000e+00 : f32
    %div3A_10 = vector.broadcast %div3A : f32 to vector<1000x1xf32>
    %div3A_11 = arith.divf %div3A_10, %select_n3A : vector<1000x1xf32>
    %jit3A_12 = arith.constant 0.000000e+00 : f32
    %broadcast_in_dim3A_13 = vector.broadcast %jit3A_12 : f32 to vector<1000x1xf32>
    %select_n3A_14 = arith.select %gt3A_6, %div3A_11, %broadcast_in_dim3A_13 : vector<1000x1xi1>, vector<1000x1xf32>
    %slice3A_15 = vector.extract_strided_slice %add3A {offsets = [0, 0], sizes = [1000, 64], strides = [1, 1]} : vector<1000x80xf32> to vector<1000x64xf32>
    %mul3A = vector.broadcast %select_n3A_14 : vector<1000x1xf32> to vector<1000x64xf32>
    %mul3A_16 = arith.mulf %mul3A, %slice3A_15 : vector<1000x64xf32>
    %get3A_17 = arith.constant 0 : index
    %get3A_18 = arith.constant 0 : index
    %get3A_19 = vector.load %arg3[%get3A_17, %get3A_18] : memref<1x64xf32, #tpu.memory_space<vmem>>, vector<1x64xf32>
    %add3A_20 = vector.broadcast %get3A_19 : vector<1x64xf32> to vector<1000x64xf32>
    %add3A_21 = arith.addf %mul3A_16, %add3A_20 : vector<1000x64xf32>
    %max3A = arith.constant 0.000000e+00 : f32
    %max3A_22 = vector.broadcast %max3A : f32 to vector<1000x64xf32>
    %max3A_23 = arith.maximumf %add3A_21, %max3A_22 : vector<1000x64xf32>
    %get3A_24 = arith.constant 0 : index
    %get3A_25 = arith.constant 0 : index
    %get3A_26 = vector.load %arg4[%get3A_24, %get3A_25] : memref<64x80xf32, #tpu.memory_space<vmem>>, vector<64x80xf32>
    %dot_general3A = arith.constant dense<0.000000e+00> : vector<1000x80xf32>
    %dot_general3A_27 = tpu.matmul %max3A_23, %get3A_26, %dot_general3A {dimension_numbers = #tpu.dot_dimension_numbers<[1], [0], [0], [1], [0, 0, 1, 1], [], []>, transpose_lhs_hint = false} : vector<1000x64xf32>, vector<64x80xf32>, vector<1000x80xf32> -> vector<1000x80xf32>
    %swap3A = arith.constant 0 : index
    %swap3A_28 = arith.constant 0 : index
    %swap3A_29 = vector.load %arg5[%swap3A, %swap3A_28] : memref<1000x80xf32, #tpu.memory_space<vmem>>, vector<1000x80xf32>
    tpu.vector_store %arg5[%swap3A, %swap3A_28], %dot_general3A_27 {strides = array<i32>} : memref<1000x80xf32, #tpu.memory_space<vmem>>, vector<1000x80xf32>,
    return
  }
  func.func @transform_0(%arg0: i32) -> (i32, i32) {
    %c0_i32 = arith.constant 0 : i32
    %c0_i32_0 = arith.constant 0 : i32
    return %arg0, %c0_i32 : i32, i32
  }
  func.func @transform_1(%arg0: i32) -> (i32, i32) {
    %c0_i32 = arith.constant 0 : i32
    %c0_i32_0 = arith.constant 0 : i32
    return %arg0, %c0_i32 : i32, i32
  }
  func.func @transform_2(%arg0: i32) -> (i32, i32) {
    %c0_i32 = arith.constant 0 : i32
    %c0_i32_0 = arith.constant 0 : i32
    %c0_i32_1 = arith.constant 0 : i32
    return %c0_i32, %c0_i32_0 : i32, i32
  }
  func.func @transform_3(%arg0: i32) -> (i32, i32) {
    %c0_i32 = arith.constant 0 : i32
    %c0_i32_0 = arith.constant 0 : i32
    %c0_i32_1 = arith.constant 0 : i32
    return %c0_i32, %c0_i32_0 : i32, i32
  }
  func.func @transform_4(%arg0: i32) -> (i32, i32) {
    %c0_i32 = arith.constant 0 : i32
    %c0_i32_0 = arith.constant 0 : i32
    return %arg0, %c0_i32 : i32, i32
  }
}

module attributes {stable_mosaic.version = 14 : i64} {
  func.func @body(%arg0: i32, %arg1: memref<1000x80xf32, #tpu.memory_space<vmem>>, %arg2: memref<1000x80xf32, #tpu.memory_space<vmem>>, %arg3: memref<1000x80xf32, #tpu.memory_space<vmem>>, %arg4: memref<1000x80xf32, #tpu.memory_space<vmem>>, %arg5: memref<1000x80xf32, #tpu.memory_space<vmem>>) attributes {dimension_semantics = [#tpu.dimension_semantics<arbitrary>], iteration_bounds = array<i64: 10>, scalar_prefetch = 0 : i64, scratch_operands = 0 : i64, tpu.core_type = #tpu.core_type<tc>, window_params = [{transform_indices = @transform_0, window_bounds = array<i64: 1000, 80>}, {transform_indices = @transform_1, window_bounds = array<i64: 1000, 80>}, {transform_indices = @transform_2, window_bounds = array<i64: 1000, 80>}, {transform_indices = @transform_3, window_bounds = array<i64: 1000, 80>}, {transform_indices = @transform_4, window_bounds = array<i64: 1000, 80>}]} {
    %get3A = arith.constant 0 : index
    %get3A_0 = arith.constant 0 : index
    %get3A_1 = vector.load %arg1[%get3A, %get3A_0] : memref<1000x80xf32, #tpu.memory_space<vmem>>, vector<1000x80xf32>
    %get3A_2 = arith.constant 0 : index
    %get3A_3 = arith.constant 0 : index
    %get3A_4 = vector.load %arg2[%get3A_2, %get3A_3] : memref<1000x80xf32, #tpu.memory_space<vmem>>, vector<1000x80xf32>
    %add3A = arith.addf %get3A_1, %get3A_4 : vector<1000x80xf32>
    %get3A_5 = arith.constant 0 : index
    %get3A_6 = arith.constant 64 : index
    %get3A_7 = vector.load %arg3[%get3A_5, %get3A_6] : memref<1000x80xf32, #tpu.memory_space<vmem>>, vector<1000x1xf32>
    %get3A_8 = arith.constant 0 : index
    %get3A_9 = arith.constant 64 : index
    %get3A_10 = vector.load %arg4[%get3A_8, %get3A_9] : memref<1000x80xf32, #tpu.memory_space<vmem>>, vector<1000x1xf32>
    %add3A_11 = arith.addf %get3A_7, %get3A_10 : vector<1000x1xf32>
    %gt3A = arith.constant 0.000000e+00 : f32
    %gt3A_12 = vector.broadcast %gt3A : f32 to vector<1000x1xf32>
    %gt3A_13 = arith.cmpf ogt, %add3A_11, %gt3A_12 : vector<1000x1xf32>
    %gt3A_14 = arith.constant 0.000000e+00 : f32
    %gt3A_15 = vector.broadcast %gt3A_14 : f32 to vector<1000x1xf32>
    %gt3A_16 = arith.cmpf ogt, %add3A_11, %gt3A_15 : vector<1000x1xf32>
    %jit3A = arith.constant 1.000000e+00 : f32
    %broadcast_in_dim3A = vector.broadcast %jit3A : f32 to vector<1000x1xf32>
    %select_n3A = arith.select %gt3A_16, %add3A_11, %broadcast_in_dim3A : vector<1000x1xi1>, vector<1000x1xf32>
    %div3A = arith.constant 1.000000e+00 : f32
    %div3A_17 = vector.broadcast %div3A : f32 to vector<1000x1xf32>
    %div3A_18 = arith.divf %div3A_17, %select_n3A : vector<1000x1xf32>
    %jit3A_19 = arith.constant 0.000000e+00 : f32
    %broadcast_in_dim3A_20 = vector.broadcast %jit3A_19 : f32 to vector<1000x1xf32>
    %select_n3A_21 = arith.select %gt3A_13, %div3A_18, %broadcast_in_dim3A_20 : vector<1000x1xi1>, vector<1000x1xf32>
    %mul3A = vector.broadcast %select_n3A_21 : vector<1000x1xf32> to vector<1000x80xf32>
    %mul3A_22 = arith.mulf %mul3A, %add3A : vector<1000x80xf32>
    %swap3A = arith.constant 0 : index
    %swap3A_23 = arith.constant 0 : index
    %swap3A_24 = vector.load %arg5[%swap3A, %swap3A_23] : memref<1000x80xf32, #tpu.memory_space<vmem>>, vector<1000x80xf32>
    tpu.vector_store %arg5[%swap3A, %swap3A_23], %mul3A_22 {strides = array<i32>} : memref<1000x80xf32, #tpu.memory_space<vmem>>, vector<1000x80xf32>,
    return
  }
  func.func @transform_0(%arg0: i32) -> (i32, i32) {
    %c0_i32 = arith.constant 0 : i32
    %c0_i32_0 = arith.constant 0 : i32
    return %arg0, %c0_i32 : i32, i32
  }
  func.func @transform_1(%arg0: i32) -> (i32, i32) {
    %c0_i32 = arith.constant 0 : i32
    %c0_i32_0 = arith.constant 0 : i32
    return %arg0, %c0_i32 : i32, i32
  }
  func.func @transform_2(%arg0: i32) -> (i32, i32) {
    %c0_i32 = arith.constant 0 : i32
    %c0_i32_0 = arith.constant 0 : i32
    return %arg0, %c0_i32 : i32, i32
  }
  func.func @transform_3(%arg0: i32) -> (i32, i32) {
    %c0_i32 = arith.constant 0 : i32
    %c0_i32_0 = arith.constant 0 : i32
    return %arg0, %c0_i32 : i32, i32
  }
  func.func @transform_4(%arg0: i32) -> (i32, i32) {
    %c0_i32 = arith.constant 0 : i32
    %c0_i32_0 = arith.constant 0 : i32
    return %arg0, %c0_i32 : i32, i32
  }
}

module attributes {stable_mosaic.version = 14 : i64} {
  func.func @body(%arg0: i32, %arg1: memref<1000x80xf32, #tpu.memory_space<vmem>>, %arg2: memref<1000x80xf32, #tpu.memory_space<vmem>>, %arg3: memref<1000x80xf32, #tpu.memory_space<vmem>>, %arg4: memref<1000x80xf32, #tpu.memory_space<vmem>>, %arg5: memref<1x80xf32, #tpu.memory_space<vmem>>, %arg6: memref<1000x80xf32, #tpu.memory_space<vmem>>) attributes {dimension_semantics = [#tpu.dimension_semantics<arbitrary>], iteration_bounds = array<i64: 10>, scalar_prefetch = 0 : i64, scratch_operands = 0 : i64, tpu.core_type = #tpu.core_type<tc>, window_params = [{transform_indices = @transform_0, window_bounds = array<i64: 1000, 80>}, {transform_indices = @transform_1, window_bounds = array<i64: 1000, 80>}, {transform_indices = @transform_2, window_bounds = array<i64: 1000, 80>}, {transform_indices = @transform_3, window_bounds = array<i64: 1000, 80>}, {pipeline_mode = #tpu.pipeline_mode<synchronous>, transform_indices = @transform_4, window_bounds = array<i64: 1, 80>}, {transform_indices = @transform_5, window_bounds = array<i64: 1000, 80>}]} {
    %get3A = arith.constant 0 : index
    %get3A_0 = arith.constant 64 : index
    %get3A_1 = vector.load %arg1[%get3A, %get3A_0] : memref<1000x80xf32, #tpu.memory_space<vmem>>, vector<1000x1xf32>
    %get3A_2 = arith.constant 0 : index
    %get3A_3 = arith.constant 64 : index
    %get3A_4 = vector.load %arg2[%get3A_2, %get3A_3] : memref<1000x80xf32, #tpu.memory_space<vmem>>, vector<1000x1xf32>
    %add3A = arith.addf %get3A_1, %get3A_4 : vector<1000x1xf32>
    %gt3A = arith.constant 0.000000e+00 : f32
    %gt3A_5 = vector.broadcast %gt3A : f32 to vector<1000x1xf32>
    %gt3A_6 = arith.cmpf ogt, %add3A, %gt3A_5 : vector<1000x1xf32>
    %gt3A_7 = arith.constant 0.000000e+00 : f32
    %gt3A_8 = vector.broadcast %gt3A_7 : f32 to vector<1000x1xf32>
    %gt3A_9 = arith.cmpf ogt, %add3A, %gt3A_8 : vector<1000x1xf32>
    %jit3A = arith.constant 1.000000e+00 : f32
    %broadcast_in_dim3A = vector.broadcast %jit3A : f32 to vector<1000x1xf32>
    %select_n3A = arith.select %gt3A_9, %add3A, %broadcast_in_dim3A : vector<1000x1xi1>, vector<1000x1xf32>
    %div3A = arith.constant 1.000000e+00 : f32
    %div3A_10 = vector.broadcast %div3A : f32 to vector<1000x1xf32>
    %div3A_11 = arith.divf %div3A_10, %select_n3A : vector<1000x1xf32>
    %jit3A_12 = arith.constant 0.000000e+00 : f32
    %broadcast_in_dim3A_13 = vector.broadcast %jit3A_12 : f32 to vector<1000x1xf32>
    %select_n3A_14 = arith.select %gt3A_6, %div3A_11, %broadcast_in_dim3A_13 : vector<1000x1xi1>, vector<1000x1xf32>
    %get3A_15 = arith.constant 0 : index
    %get3A_16 = arith.constant 0 : index
    %get3A_17 = vector.load %arg3[%get3A_15, %get3A_16] : memref<1000x80xf32, #tpu.memory_space<vmem>>, vector<1000x80xf32>
    %get3A_18 = arith.constant 0 : index
    %get3A_19 = arith.constant 0 : index
    %get3A_20 = vector.load %arg4[%get3A_18, %get3A_19] : memref<1000x80xf32, #tpu.memory_space<vmem>>, vector<1000x80xf32>
    %add3A_21 = arith.addf %get3A_17, %get3A_20 : vector<1000x80xf32>
    %mul3A = vector.broadcast %select_n3A_14 : vector<1000x1xf32> to vector<1000x80xf32>
    %mul3A_22 = arith.mulf %mul3A, %add3A_21 : vector<1000x80xf32>
    %get3A_23 = arith.constant 0 : index
    %get3A_24 = arith.constant 0 : index
    %get3A_25 = vector.load %arg5[%get3A_23, %get3A_24] : memref<1x80xf32, #tpu.memory_space<vmem>>, vector<1x80xf32>
    %add3A_26 = vector.broadcast %get3A_25 : vector<1x80xf32> to vector<1000x80xf32>
    %add3A_27 = arith.addf %mul3A_22, %add3A_26 : vector<1000x80xf32>
    %swap3A = arith.constant 0 : index
    %swap3A_28 = arith.constant 0 : index
    %swap3A_29 = vector.load %arg6[%swap3A, %swap3A_28] : memref<1000x80xf32, #tpu.memory_space<vmem>>, vector<1000x80xf32>
    tpu.vector_store %arg6[%swap3A, %swap3A_28], %add3A_27 {strides = array<i32>} : memref<1000x80xf32, #tpu.memory_space<vmem>>, vector<1000x80xf32>,
    return
  }
  func.func @transform_0(%arg0: i32) -> (i32, i32) {
    %c0_i32 = arith.constant 0 : i32
    %c0_i32_0 = arith.constant 0 : i32
    return %arg0, %c0_i32 : i32, i32
  }
  func.func @transform_1(%arg0: i32) -> (i32, i32) {
    %c0_i32 = arith.constant 0 : i32
    %c0_i32_0 = arith.constant 0 : i32
    return %arg0, %c0_i32 : i32, i32
  }
  func.func @transform_2(%arg0: i32) -> (i32, i32) {
    %c0_i32 = arith.constant 0 : i32
    %c0_i32_0 = arith.constant 0 : i32
    return %arg0, %c0_i32 : i32, i32
  }
  func.func @transform_3(%arg0: i32) -> (i32, i32) {
    %c0_i32 = arith.constant 0 : i32
    %c0_i32_0 = arith.constant 0 : i32
    return %arg0, %c0_i32 : i32, i32
  }
  func.func @transform_4(%arg0: i32) -> (i32, i32) {
    %c0_i32 = arith.constant 0 : i32
    %c0_i32_0 = arith.constant 0 : i32
    %c0_i32_1 = arith.constant 0 : i32
    return %c0_i32, %c0_i32_0 : i32, i32
  }
  func.func @transform_5(%arg0: i32) -> (i32, i32) {
    %c0_i32 = arith.constant 0 : i32
    %c0_i32_0 = arith.constant 0 : i32
    return %arg0, %c0_i32 : i32, i32
  }
}

</mosaic_0001>

<sc_bundles>
// kernel: kernel.11.cloned.1.call-start
scs
__scs_entry_jumppad:
0x0: {  	(pc) =	sbr.rel $0x88, $3  }
0x1: {  	(tag) =	ssettag $0x0;
	lr =	simm.s32 $0x1  }
0x2: {  	[smem:$0x3F9B] =	sst lr;
	_ =	strace $0xD0000000  }
0x3: {  	_ = 	snop  }
0x4: {  	_ = 	snop  }
0x5: {  	_ = 	snop  }
0x6: {  	_ = 	snop  }
0x7: {  	_ = 	snop  }
__scs_overlays_trampoline_lowered:
0x8: {  	[smem:$0x3FAA] =	sst s0  }
0x9: {  	[smem:$0x3FAB] =	sst s1  }
0xa: {  	[smem:$0x3FAC] =	sst s2  }
0xb: {  	[smem:$0x3FAD] =	sst s3  }
0xc: {  	[smem:$0x3FAE] =	sst s4  }
0xd: {  	[smem:$0x3FAF] =	sst s5  }
0xe: {  	[smem:$0x3FB0] =	sst s6  }
0xf: {  	[smem:$0x3FB1] =	sst s7  }
0x10: {  	[smem:$0x3FB2] =	sst s8  }
0x11: {  	[smem:$0x3FB3] =	sst s9;
	s0 =	simm.s32 @!p0 $0x0  }
0x12: {  	s1 =	sld [smem:$0x3F99];
	s0 =	simm.s32 @p0 $0x1  }
0x13: {  	[smem:$0x3FB4] =	sst s0;
	s0 =	simm.s32 @!p1 $0x0  }
0x14: {  	s2 =	sld [smem:$0x3F98];
	s0 =	simm.s32 @p1 $0x1  }
0x15: {  	[smem:$0x3FB5] =	sst s0;
	s0 =	simm.s32 @!p2 $0x0  }
0x16: {  	s3 =	sld [smem:$0x3FDB];
	s0 =	simm.s32 @p2 $0x1  }
0x17: {  	s4 =	simm.s32 $0x1BF5;
	[smem:$0x3FB7] =	sst s0  }
0x18: {  	s0 =	sld [smem:$0x3F9A];
	_ =	swait.ge [sflag:s4], $0x0  }
0x19: {  	s7 =	sld [smem:$0x3F9B]  }
0x1a: {  	s8 =	sadd.s32 $0xFFFFE003, lr  }
0x1b: {  	s9 =	sadd.s32 $0xFFFFFEF7, lr;
	s5 =	simm.s32 $0xFFFFFFFF;
	p2 =	slt.u32 s8, $0xFFFFF086  }
0x1c: {  	p1 =	slt.u32 s9, $0xF7A;
	s5 =	simm.s32 @!p2 $0x0  }
0x1d: {  	s5 =	simm.s32 @p1 $0x1;
	p0 =	seq.s32 s7, s2  }
0x1e: {  	s7 =	smul.u32 @!p0 $0xF7A, s2;
	p2 =	seq.s32 @!p0 s5, $0x0  }
0x1f: {  	s9 =	smul.u32 $0xF7A, s1;
	s8 =	simm.s32 @!p0 $0x1BF5;
	p2 =	por !p2, p0  }
0x20: {  	[sflag:s8] =	ssyncset.s32 @!p0 $0xFFFFF086;
	s6 =	sadd.s32 @!p0 s3, s7;
	s7 =	simm.s32 @!p0 $0x108  }
0x21: {  	s3 =	sadd.s32 s3, s9;
	s6 =	sadd.s32 @!p0 $0x88, s6;
	s7 =	simm.s32 @p2 $0x1082  }
0x22: {  	[simem:s7], [sflag:s8] =	dma.local @!p0 [hbm:s6], $0xF7A  }
0x23: {  	s9 =	sor.u32 $0xD0000000, s2;
	s6 =	simm.s32 $0x108;
	_ =	swait.ge @!p0 [sflag:s8], $0x0  }
0x24: {  	s3 =	sadd.s32 $0x88, s3;
	s6 =	simm.s32 @!p1 $0x1082;
	[sflag:s4] =	ssyncset.s32 $0xFFFFF086  }
0x25: {  	[simem:s6], [sflag:s4] =	dma.local [hbm:s3], $0xF7A  }
0x26: {  	[smem:$0x3F9B] =	sst s1;
	(tag) =	ssettag s2;
	_ =	strace s9  }
0x27: {  	s1 =	sld [smem:$0x3FAB]  }
0x28: {  	s2 =	sld [smem:$0x3FAC]  }
0x29: {  	s4 =	sld [smem:$0x3FAE]  }
0x2a: {  	p0 =	seq.s32 s5, $0x0;
	s5 =	sld [smem:$0x3FAF]  }
0x2b: {  	s6 =	sld [smem:$0x3FB0]  }
0x2c: {  	s7 =	sld [smem:$0x3FB1]  }
0x2d: {  	s3 =	simm.s32 $0x108;
	s8 =	sld [smem:$0x3FB2]  }
0x2e: {  	s3 =	simm.s32 @!p0 $0x1082;
	s9 =	sld [smem:$0x3FB3]  }
0x2f: {  	lr =	sadd.s32 s0, s3;
	s0 =	sld [smem:$0x3FAA]  }
0x30: {  	s3 =	sld [smem:$0x3FAD]  }
0x31: {  	[smem:$0x3FB6] =	sst s10  }
0x32: {  	s10 =	sld [smem:$0x3FB4];
	_ =	sdelay $0x3  }
0x33: {  	p0 =	seq.s32 s10, $0x1;
	s10 =	sld [smem:$0x3FB6];
	_ =	sdelay $0x3  }
0x34: {  	[smem:$0x3FB6] =	sst s10  }
0x35: {  	s10 =	sld [smem:$0x3FB5];
	_ =	sdelay $0x3  }
0x36: {  	p1 =	seq.s32 s10, $0x1;
	s10 =	sld [smem:$0x3FB6];
	_ =	sdelay $0x3  }
0x37: {  	[smem:$0x3FB6] =	sst s10  }
0x38: {  	s10 =	sld [smem:$0x3FB7]  }
0x39: {  	_ = 	snop;
	(pc) =	sbr.ind lr, $3  }
0x3a: {  	_ = 	snop  }
0x3b: {  	_ = 	snop  }
0x3c: {  	p2 =	seq.s32 s10, $0x1;
	s10 =	sld [smem:$0x3FB6]  }
0x3d: {  	_ =	shalt  }
0x3e: {  	_ =	shalt  }
0x3f: {  	_ =	shalt  }
0x40: {  	_ =	shalt  }
0x41: {  	_ =	shalt  }
0x42: {  	_ =	shalt  }
0x43: {  	_ =	shalt  }
0x44: {  	_ =	shalt  }
0x45: {  	_ =	shalt  }
0x46: {  	_ =	shalt  }
0x47: {  	_ =	shalt  }
0x48: {  	_ =	shalt  }
0x49: {  	_ =	shalt  }
0x4a: {  	_ =	shalt  }
0x4b: {  	_ =	shalt  }
0x4c: {  	_ =	shalt  }
0x4d: {  	_ =	shalt  }
0x4e: {  	_ =	shalt  }
0x4f: {  	_ =	shalt  }
0x50: {  	_ =	shalt  }
0x51: {  	_ =	shalt  }
0x52: {  	_ =	shalt  }
0x53: {  	_ =	shalt  }
0x54: {  	_ =	shalt  }
0x55: {  	_ =	shalt  }
0x56: {  	_ =	shalt  }
0x57: {  	_ =	shalt  }
0x58: {  	_ =	shalt  }
0x59: {  	_ =	shalt  }
0x5a: {  	_ =	shalt  }
0x5b: {  	_ =	shalt  }
0x5c: {  	_ =	shalt  }
0x5d: {  	_ =	shalt  }
0x5e: {  	_ =	shalt  }
0x5f: {  	_ =	shalt  }
0x60: {  	_ =	shalt  }
0x61: {  	_ =	shalt  }
0x62: {  	_ =	shalt  }
0x63: {  	_ =	shalt  }
0x64: {  	_ =	shalt  }
0x65: {  	_ =	shalt  }
0x66: {  	_ =	shalt  }
0x67: {  	_ =	shalt  }
0x68: {  	_ =	shalt  }
0x69: {  	_ =	shalt  }
0x6a: {  	_ =	shalt  }
0x6b: {  	_ =	shalt  }
0x6c: {  	_ =	shalt  }
0x6d: {  	_ =	shalt  }
0x6e: {  	_ =	shalt  }
0x6f: {  	_ =	shalt  }
0x70: {  	_ =	shalt  }
0x71: {  	_ =	shalt  }
0x72: {  	_ =	shalt  }
0x73: {  	_ =	shalt  }
0x74: {  	_ =	shalt  }
0x75: {  	_ =	shalt  }
0x76: {  	_ =	shalt  }
0x77: {  	_ =	shalt  }
0x78: {  	_ =	shalt  }
0x79: {  	_ =	shalt  }
0x7a: {  	_ =	shalt  }
0x7b: {  	_ =	shalt  }
0x7c: {  	_ =	shalt  }
0x7d: {  	_ =	shalt  }
0x7e: {  	_ =	shalt  }
0x7f: {  	_ =	shalt  }
0x80: {  	_ =	shalt  }
0x81: {  	_ =	shalt  }
0x82: {  	_ =	shalt  }
0x83: {  	_ =	shalt  }
0x84: {  	_ =	shalt  }
0x85: {  	_ =	shalt  }
0x86: {  	_ =	shalt  }
0x87: {  	_ =	shalt  }
.Lfunc_end0:
.L_simem_size_0:
called_computation_lowered:
.L_overlay_start_0:
0x88: {  	s2 =	sld [smem:$0x3FD9]  }
0x89: {  	s3 =	sld [smem:$0x3FFE];
	_ =	sdelay $0x1  }
0x8a: {  	s1 =	srdreg.scid  }
0x8b: {  	s0 =	sand.u32 $0x1, s1  }
0x8c: {  	s17 =	sshll.u32 s0, $0xA;
	s2 =	sadd.s32 s3, s2  }
0x8d: {  	s2 =	sadd.s32 s2, s17  }
0x8e: {  	[smem:$0x3FC2] =	sst s2  }
0x8f: {  	_ = 	snop  }
0x90: {  	s2 =	sld [smem:$0x3FD0];
	(tm) =	ssettm $0x1  }
0x91: {  	s18 =	sld [smem:$0x3FFB];
	_ =	sdelay $0x3  }
0x92: {  	_ =	strace s18  }
0x93: {  	s3 =	sld [smem:$0x3FFC];
	_ =	sdelay $0x3  }
0x94: {  	_ =	strace s3  }
0x95: {  	s3 =	sld [smem:$0x3FFD];
	_ =	sdelay $0x3  }
0x96: {  	_ =	strace s3  }
0x97: {  	_ =	strace $0x8FFFFFFF  }
0x98: {  	s19 =	sld [smem:$0x3FDB];
	_ =	sdelay $0x1  }
0x99: {  	s4 =	simm.s32 $_scs_section_size  }
0x9a: {  	s5 =	simm.s32 $_size__tile_overlayer_lowered;
	s6 =	simm.s32 $_tile_overlayer_lowered  }
0x9b: {  	s22 =	simm.s32 $0x1BFF;
	s21 =	sshll.u32 s6, $0x1;
	s3 =	sadd.s32 s4, s19  }
0x9c: {  	s7 =	simm.s32 $0x0;
	s20 =	sshll.u32 s5, $0x1;
	s5 =	sadd.s32 s21, s3  }
0x9d: {  	[timem:s7], [sflag:s22] =	dma.local [hbm:s5], s20  }
0x9e: {  	_ =	swait.ge [sflag:s22], s20  }
0x9f: {  	s4 =	ssub.s32 $0x0, s20;
	[sflag:s22] =	ssyncset.done $0x0  }
0xa0: {  	[sflag:s22] =	ssyncadd.s32 s4;
	_ =	sdelay $0x1  }
0xa1: {  	s23 =	simm.s32 $0x1B8B  }
0xa2: {  	_ =	swait.ge [sflag:s23], $0x1  }
0xa3: {  	[sflag:s23] =	ssyncset.done $0x0  }
0xa4: {  	s25 =	simm.s32 $0x1B8E;
	s24 =	sld [smem:$0x3FFE];
	[sflag:s23] =	ssyncadd.s32 $0xFFFFFFFF  }
0xa5: {  	s26 =	simm.s32 $execute0_lowered;
	[smem:$0x3FD2] =	sst s25  }
0xa6: {  	s5 =	sshll.u32 s26, $0x1;
	_ =	strace $0x80000046;
	[dreg:$0x1] =	wrdreg $0xFFFFFFFF  }
0xa7: {  	s28 =	simm.s32 $_size_execute0_lowered;
	s3 =	sadd.s32 s3, s5;
	[dreg:$0x0] =	wrdreg $0x0  }
0xa8: {  	s5 =	sshll.u32 s28, $0x1;
	[dreg:$0x2] =	wrdreg s3  }
0xa9: {  	[dreg:$0x3] =	wrdreg s5  }
0xaa: {  	[dreg:$0x4] =	wrdreg $0xC0  }
0xab: {  	_ =	task [dreg:s7], $0x5FFFF  }
0xac: {  	[dreg:$0x1] =	wrdreg $0xFFFFFFFF  }
0xad: {  	[dreg:$0x0] =	wrdreg $0x60  }
0xae: {  	[dreg:$0x2] =	wrdreg s24  }
0xaf: {  	[dreg:$0x3] =	wrdreg s2  }
0xb0: {  	[dreg:$0x4] =	wrdreg $0x91000  }
0xb1: {  	[dreg:$0x5] =	wrdreg $0x9  }
0xb2: {  	_ =	task.clear_ibuf [dreg:s7], $0x6FFFF;
	_ =	strace $0x90000046  }
0xb3: {  	s29 =	simm.s32 $0x9;
	_ =	strace $0x80000048  }
0xb4: {  	_ =	swait.ge [sflag:s29], $0x1  }
0xb5: {  	[sflag:s29] =	ssyncadd.s32 $0xFFFFFFFF  }
0xb6: {  	_ =	strace $0x90000048  }
0xb7: {  	_ =	sfence  }
0xb8: {  	s30 =	sld [smem:$0x0];
	_ =	sdelay $0x2  }
0xb9: {  	s31 =	sshll.u32 s1, $0xD;
	s1 =	sshrl.u32 s1, $0x2  }
0xba: {  	s3 =	sand.u32 $0x4000, s31;
	s1 =	sadd.s32 s1, s30  }
0xbb: {  	s0 =	sor.u32 s3, s0;
	s1 =	sshll.u32 s1, $0x11  }
0xbc: {  	s0 =	sor.u32 s1, s0  }
0xbd: {  	s0 =	sadd.s32 $0x8F2B, s0  }
0xbe: {  	[sflag:s0] =	ssyncadd.remote.s32 $0x1  }
0xbf: {  	_ =	sfence.sel $0xFFFF  }
0xc0: {  	[dreg:$0x0] =	wrdreg $0xFFFFFFFF;
	(pc) =	sbr.abs _section_cstart, $3  }
0xc1: {  	[dreg:$0x1] =	wrdreg $0xFFFFFFFF  }
0xc2: {  	_ =	task.clear_ibuf [dreg:s7], $0x2FFFF;
	_ =	strace $0x9FFFFFFF  }
0xc3: {  	(tm) =	ssettm $0x7FFFFFFF  }
tec
execute0_lowered:
.L_overlay_start_1:
0x0: {  	(tag) =	ssettag $0x1  }
0x1: {  	s6 =	rddreg [dreg:$0x0]  }
0x2: {  	s0 =	srdreg.scid;
	s7 =	rddreg [dreg:$0x1]  }
0x3: {  	s2 =	rddreg [dreg:$0x2];
	s3 =	simm.s32 $0x0;
	s17 =	simm.s32 $0x80  }
0x4: {  	s18 =	simm.s32 $0x6900;
	s19 =	simm.s32 $0x1;
	s22 =	simm.s32 $0x0  }
0x5: {  	s9 =	sand.u32 $0x1, s0;
	s0 =	stileid.u32;
	[smem:$0x7FF] =	sst s3  }
0x6: {  	s13 =	sadd.s32 $0x41C00, s6;
	s16 =	sadd.s32 $0xC2880, s2;
	s5 =	smul.u32 $0xCF80, s0  }
0x7: {  	s20 =	sadd.s32 $0xB9280, s2;
	s1 =	sshll.u32 s9, $0x4;
	s28 =	smul.u32 $0xC3500, s9  }
0x8: {  	s12 =	ssub.s32 $0x2, s9;
	s29 =	smul.u32 $0xC580, s0;
	p0 =	seq.s32 s9, $0x0  }
0x9: {  	s9 =	simm.s32 $0x69;
	s4 =	sor.u32 s0, s1;
	s1 =	rddreg [dreg:$0x3]  }
0xa: {  	_ =	strace $0x80000047;
	s14 =	sshrl.u32 s12, $0x1;
	s9 =	simm.s32 @!p0 $0x35  }
0xb: {  	p0 =	seq.s32 s0, $0xF;
	s8 =	smul.u32 $0x690, s4;
	s4 =	sadd.s32 $0xF800, s6  }
0xc: {  	s11 =	sshrl.u32 s5, $0x3;
	s12 =	ssub.s32 s12, s14;
	s15 =	sadd.s32 s5, s2  }
0xd: {  	s30 =	sadd.s32 s29, s28;
	s14 =	sshrl.u32 s28, $0x3;
	s21 =	sadd.s32 s29, s2  }
0xe: {  	s20 =	sshrl.u32 @p0 s20, $0x3;
	s11 =	sadd.s32 s11, s6;
	s31 =	sadd.s32 s13, s14  }
0xf: {  	s12 =	smax.u32 s12, $0x1;
	s14 =	sshll.u32 @!p0 s0, $0x6;
	s15 =	sshrl.u32 @!p0 s15, $0x3  }
0x10: {  	s21 =	sshrl.u32 @!p0 s21, $0x3;
	s10 =	sadd.s32 s8, s6;
	s5 =	sadd.s32 $0x28000, s11  }
0x11: {  	s6 =	sadd.s32 $0x40510, s6;
	s7 =	sadd.s32 s7, s8;
	s11 =	sadd.s32 $0x17250, s31  }
0x12: {  	s14 =	sor.u32 @!p0 $0x1C02, s14;
	s8 =	sadd.s32 $0x2600, s10;
	s10 =	sshrl.u32 s30, $0x3  }
0x13: {  	s10 =	sadd.s32 s13, s10;
	s13 =	sshrl.u32 @p0 s16, $0x3;
	s16 =	simm.s32 $0x2  }
.LBB2_1:
0x14: {  	s25 =	simm.s32 @p0 $0x1FC2;
	s24 =	simm.s32 @p0 $0x2  }
0x15: {  	[spmem:s13], [sflag:s25] =	dma.local @p0 [hbm:s6], $0x1590  }
0x16: {  	_ =	swait.ge @p0 [sflag:s24], $0x1590  }
0x17: {  	[sflag:s24] =	ssyncset.done @p0 $0x0  }
0x18: {  	s23 =	simm.s32 @!p0 $0x2;
	[sflag:s24] =	ssyncadd.s32 @p0 $0xFFFFEA70  }
0x19: {  	[spmem:s15], [sflag:s14] =	dma.local @!p0 [hbm:s5], $0x19F0  }
0x1a: {  	_ =	swait.ge @!p0 [sflag:s23], $0x19F0  }
0x1b: {  	[sflag:s23] =	ssyncset.done @!p0 $0x0  }
0x1c: {  	[sflag:s23] =	ssyncadd.s32 @!p0 $0xFFFFE610  }
0x1d: {  	[tilespmem:s3], [sflag:$0x2] =	stream.linear.gather [hbm4b:s7+s3], $0x3480, $0x38;
	[tilespmem:$0x15E50] =	vst v63  }
0x1e: {  	_ =	swait.ge [sflag:s16], $0x3480  }
0x1f: {  	[sflag:s16] =	ssyncset.done $0x0  }
0x20: {  	s26 =	simm.s32 $0x3480;
	[sflag:s16] =	ssyncadd.s32 $0xFFFFCB80  }
0x21: {  	[tilespmem:s26], [sflag:$0x2] =	stream.linear.gather [hbm4b:s8+s3], $0x3480, $0x38;
	[tilespmem:$0x15E50] =	vst v63  }
0x22: {  	_ =	swait.ge [sflag:s16], $0x3480  }
0x23: {  	[sflag:s16] =	ssyncset.done $0x0  }
0x24: {  	[sflag:s16] =	ssyncadd.s32 $0xFFFFCB80  }
0x25: {  	[bflag:$0x0] =	sbarrier.arrive $0xFFFF  }
0x26: {  	[tilespmem:s18], [sflag:$0x1] =	stream.indirect.gather [hbm4b:s4+s17], $0x50, s3, s17, $0xb8;
	[tilespmem:$0x15E50] =	vst v63  }
0x27: {  	p1 =	sne.s32 s9, $0x1;
	_ =	swait.ge [sflag:s19], $0x2800  }
.Ltmp0:
0x28: {  	[sflag:s19] =	ssyncset.done $0x0;
	(pc) =	sbr.rel @!p1 .LBB2_3-.Ltmp0, $4  }
0x29: {  	[sflag:s19] =	ssyncadd.s32 $0xFFFFD800  }
0x2a: {  	[spmem:s2] =	stream.indirect.scatter.add.f32 [tilespmem:s18], [sflag:$0x2], $0x50, s26, s17, $0xb8;
	[tilespmem:$0x15E50] =	vst v63  }
0x2b: {  	_ =	swait.ge [sflag:s16], $0x2800  }
0x2c: {  	s28 =	sadd.s32 $0xFFFFFFFF, s9;
	s29 =	simm.s32 $0x0;
	[sflag:s16] =	ssyncset.done $0x0  }
.LBB2_2:
0x2d: {  	[sflag:s16] =	ssyncadd.s32 $0xFFFFD800;
	s29 =	sadd.s32 $0x80, s29;
	s26 =	sadd.s32 $0x80, s26  }
0x2e: {  	[tilespmem:s18], [sflag:$0x1] =	stream.indirect.gather [hbm4b:s4+s17], $0x50, s29, s17, $0xb8;
	[tilespmem:$0x15E50] =	vst v63  }
0x2f: {  	p1 =	sne.s32 s28, $0x1;
	s28 =	sadd.s32 $0xFFFFFFFF, s28;
	_ =	swait.ge [sflag:s19], $0x2800  }
.Ltmp1:
0x30: {  	[sflag:s19] =	ssyncset.done $0x0;
	(pc) =	sbr.rel @p1 .LBB2_2-.Ltmp1, $4  }
0x31: {  	[sflag:s19] =	ssyncadd.s32 $0xFFFFD800  }
0x32: {  	[spmem:s2] =	stream.indirect.scatter.add.f32 [tilespmem:s18], [sflag:$0x2], $0x50, s26, s17, $0xb8;
	[tilespmem:$0x15E50] =	vst v63  }
0x33: {  	_ =	swait.ge [sflag:s16], $0x2800  }
0x34: {  	[sflag:s16] =	ssyncset.done $0x0  }
.LBB2_3:
0x35: {  	[sflag:s16] =	ssyncadd.s32 $0xFFFFD800  }
0x36: {  	[bflag:$0x0] =	sbarrier.arrive $0xFFFF  }
0x37: {  	[hbm:s11], [sflag:s25] =	dma.local @p0 [spmem:s20], $0x1450  }
0x38: {  	s22 =	sadd.s32 $0x1, s22;
	_ =	swait.ge @p0 [sflag:s24], $0x1450  }
0x39: {  	p1 =	sne.s32 s22, s12;
	[sflag:s24] =	ssyncset.done @p0 $0x0  }
.Ltmp2:
0x3a: {  	[sflag:s24] =	ssyncadd.s32 @p0 $0xFFFFEBB0;
	(pc) =	sbr.rel @p1 .LBB2_1-.Ltmp2, $4  }
0x3b: {  	[hbm:s10], [sflag:s14] =	dma.local @!p0 [spmem:s21], $0x18B0  }
0x3c: {  	_ =	swait.ge @!p0 [sflag:s23], $0x18B0  }
0x3d: {  	[sflag:s23] =	ssyncset.done @!p0 $0x0  }
0x3e: {  	[sflag:s23] =	ssyncadd.s32 @!p0 $0xFFFFE750  }
0x3f: {  	_ =	sfence.sel $0x180000  }
0x40: {  	[bflag:$0x0] =	sbarrier.arrive $0xFFFF  }
0x41: {  	p0 =	sne.s32 s0, $0x0;
	_ =	strace $0x90000047  }
0x42: {  	s0 =	sadd.s32 @!p0 $0x100000, s1;
	[bflag:$0x2] =	sbarrier.arrive $0xFFFF  }
0x43: {  	[sflag:s0] =	ssyncadd.tile.s32 @!p0 $0x1;
	_ =	shalt  }
.Lfunc_end2:
_tile_overlayer_lowered:
.L_overlay_start_2:
0x44: {  	(tag) =	ssettag $0x2  }
0x45: {  	s0 =	rddreg [dreg:$0x0];
	s2 =	stileid.u32  }
0x46: {  	s1 =	rddreg [dreg:$0x1];
	p0 =	sne.s32 s2, $0x0  }
0x47: {  	s3 =	rddreg [dreg:$0x2];
	[bflag:$0x3] =	sbarrier.arrive $0xFFFF;
	s2 =	simm.s32 @!p0 $0x1C02  }
0x48: {  	[timem:s3], [sflag:s2] =	dma.local @!p0 [hbm:s0], s1  }
0x49: {  	s0 =	simm.s32 @!p0 $0x2  }
0x4a: {  	_ =	swait.ge @!p0 [sflag:s0], s1  }
0x4b: {  	s1 =	ssub.s32 @!p0 $0x0, s1;
	[sflag:s0] =	ssyncset.done @!p0 $0x0  }
0x4c: {  	[sflag:s0] =	ssyncadd.s32 @!p0 s1  }
0x4d: {  	[bflag:$0x3] =	sbarrier.arrive $0xFFFF  }
0x4e: {  	_ =	shalt  }

// kernel: kernel.14.cloned.1.call-start
scs
__scs_entry_jumppad:
0x0: {  	(pc) =	sbr.rel $0x88, $3  }
0x1: {  	(tag) =	ssettag $0x0;
	lr =	simm.s32 $0x1  }
0x2: {  	[smem:$0x3F9B] =	sst lr;
	_ =	strace $0xD0000000  }
0x3: {  	_ = 	snop  }
0x4: {  	_ = 	snop  }
0x5: {  	_ = 	snop  }
0x6: {  	_ = 	snop  }
0x7: {  	_ = 	snop  }
__scs_overlays_trampoline_lowered:
0x8: {  	[smem:$0x3FAA] =	sst s0  }
0x9: {  	[smem:$0x3FAB] =	sst s1  }
0xa: {  	[smem:$0x3FAC] =	sst s2  }
0xb: {  	[smem:$0x3FAD] =	sst s3  }
0xc: {  	[smem:$0x3FAE] =	sst s4  }
0xd: {  	[smem:$0x3FAF] =	sst s5  }
0xe: {  	[smem:$0x3FB0] =	sst s6  }
0xf: {  	[smem:$0x3FB1] =	sst s7  }
0x10: {  	[smem:$0x3FB2] =	sst s8  }
0x11: {  	[smem:$0x3FB3] =	sst s9;
	s0 =	simm.s32 @!p0 $0x0  }
0x12: {  	s1 =	sld [smem:$0x3F99];
	s0 =	simm.s32 @p0 $0x1  }
0x13: {  	[smem:$0x3FB4] =	sst s0;
	s0 =	simm.s32 @!p1 $0x0  }
0x14: {  	s2 =	sld [smem:$0x3F98];
	s0 =	simm.s32 @p1 $0x1  }
0x15: {  	[smem:$0x3FB5] =	sst s0;
	s0 =	simm.s32 @!p2 $0x0  }
0x16: {  	s3 =	sld [smem:$0x3FDB];
	s0 =	simm.s32 @p2 $0x1  }
0x17: {  	s4 =	simm.s32 $0x1BF5;
	[smem:$0x3FB7] =	sst s0  }
0x18: {  	s0 =	sld [smem:$0x3F9A];
	_ =	swait.ge [sflag:s4], $0x0  }
0x19: {  	s7 =	sld [smem:$0x3F9B]  }
0x1a: {  	s8 =	sadd.s32 $0xFFFFE003, lr  }
0x1b: {  	s9 =	sadd.s32 $0xFFFFFEF7, lr;
	s5 =	simm.s32 $0xFFFFFFFF;
	p2 =	slt.u32 s8, $0xFFFFF086  }
0x1c: {  	p1 =	slt.u32 s9, $0xF7A;
	s5 =	simm.s32 @!p2 $0x0  }
0x1d: {  	s5 =	simm.s32 @p1 $0x1;
	p0 =	seq.s32 s7, s2  }
0x1e: {  	s7 =	smul.u32 @!p0 $0xF7A, s2;
	p2 =	seq.s32 @!p0 s5, $0x0  }
0x1f: {  	s9 =	smul.u32 $0xF7A, s1;
	s8 =	simm.s32 @!p0 $0x1BF5;
	p2 =	por !p2, p0  }
0x20: {  	[sflag:s8] =	ssyncset.s32 @!p0 $0xFFFFF086;
	s6 =	sadd.s32 @!p0 s3, s7;
	s7 =	simm.s32 @!p0 $0x108  }
0x21: {  	s3 =	sadd.s32 s3, s9;
	s6 =	sadd.s32 @!p0 $0x88, s6;
	s7 =	simm.s32 @p2 $0x1082  }
0x22: {  	[simem:s7], [sflag:s8] =	dma.local @!p0 [hbm:s6], $0xF7A  }
0x23: {  	s9 =	sor.u32 $0xD0000000, s2;
	s6 =	simm.s32 $0x108;
	_ =	swait.ge @!p0 [sflag:s8], $0x0  }
0x24: {  	s3 =	sadd.s32 $0x88, s3;
	s6 =	simm.s32 @!p1 $0x1082;
	[sflag:s4] =	ssyncset.s32 $0xFFFFF086  }
0x25: {  	[simem:s6], [sflag:s4] =	dma.local [hbm:s3], $0xF7A  }
0x26: {  	[smem:$0x3F9B] =	sst s1;
	(tag) =	ssettag s2;
	_ =	strace s9  }
0x27: {  	s1 =	sld [smem:$0x3FAB]  }
0x28: {  	s2 =	sld [smem:$0x3FAC]  }
0x29: {  	s4 =	sld [smem:$0x3FAE]  }
0x2a: {  	p0 =	seq.s32 s5, $0x0;
	s5 =	sld [smem:$0x3FAF]  }
0x2b: {  	s6 =	sld [smem:$0x3FB0]  }
0x2c: {  	s7 =	sld [smem:$0x3FB1]  }
0x2d: {  	s3 =	simm.s32 $0x108;
	s8 =	sld [smem:$0x3FB2]  }
0x2e: {  	s3 =	simm.s32 @!p0 $0x1082;
	s9 =	sld [smem:$0x3FB3]  }
0x2f: {  	lr =	sadd.s32 s0, s3;
	s0 =	sld [smem:$0x3FAA]  }
0x30: {  	s3 =	sld [smem:$0x3FAD]  }
0x31: {  	[smem:$0x3FB6] =	sst s10  }
0x32: {  	s10 =	sld [smem:$0x3FB4];
	_ =	sdelay $0x3  }
0x33: {  	p0 =	seq.s32 s10, $0x1;
	s10 =	sld [smem:$0x3FB6];
	_ =	sdelay $0x3  }
0x34: {  	[smem:$0x3FB6] =	sst s10  }
0x35: {  	s10 =	sld [smem:$0x3FB5];
	_ =	sdelay $0x3  }
0x36: {  	p1 =	seq.s32 s10, $0x1;
	s10 =	sld [smem:$0x3FB6];
	_ =	sdelay $0x3  }
0x37: {  	[smem:$0x3FB6] =	sst s10  }
0x38: {  	s10 =	sld [smem:$0x3FB7]  }
0x39: {  	_ = 	snop;
	(pc) =	sbr.ind lr, $3  }
0x3a: {  	_ = 	snop  }
0x3b: {  	_ = 	snop  }
0x3c: {  	p2 =	seq.s32 s10, $0x1;
	s10 =	sld [smem:$0x3FB6]  }
0x3d: {  	_ =	shalt  }
0x3e: {  	_ =	shalt  }
0x3f: {  	_ =	shalt  }
0x40: {  	_ =	shalt  }
0x41: {  	_ =	shalt  }
0x42: {  	_ =	shalt  }
0x43: {  	_ =	shalt  }
0x44: {  	_ =	shalt  }
0x45: {  	_ =	shalt  }
0x46: {  	_ =	shalt  }
0x47: {  	_ =	shalt  }
0x48: {  	_ =	shalt  }
0x49: {  	_ =	shalt  }
0x4a: {  	_ =	shalt  }
0x4b: {  	_ =	shalt  }
0x4c: {  	_ =	shalt  }
0x4d: {  	_ =	shalt  }
0x4e: {  	_ =	shalt  }
0x4f: {  	_ =	shalt  }
0x50: {  	_ =	shalt  }
0x51: {  	_ =	shalt  }
0x52: {  	_ =	shalt  }
0x53: {  	_ =	shalt  }
0x54: {  	_ =	shalt  }
0x55: {  	_ =	shalt  }
0x56: {  	_ =	shalt  }
0x57: {  	_ =	shalt  }
0x58: {  	_ =	shalt  }
0x59: {  	_ =	shalt  }
0x5a: {  	_ =	shalt  }
0x5b: {  	_ =	shalt  }
0x5c: {  	_ =	shalt  }
0x5d: {  	_ =	shalt  }
0x5e: {  	_ =	shalt  }
0x5f: {  	_ =	shalt  }
0x60: {  	_ =	shalt  }
0x61: {  	_ =	shalt  }
0x62: {  	_ =	shalt  }
0x63: {  	_ =	shalt  }
0x64: {  	_ =	shalt  }
0x65: {  	_ =	shalt  }
0x66: {  	_ =	shalt  }
0x67: {  	_ =	shalt  }
0x68: {  	_ =	shalt  }
0x69: {  	_ =	shalt  }
0x6a: {  	_ =	shalt  }
0x6b: {  	_ =	shalt  }
0x6c: {  	_ =	shalt  }
0x6d: {  	_ =	shalt  }
0x6e: {  	_ =	shalt  }
0x6f: {  	_ =	shalt  }
0x70: {  	_ =	shalt  }
0x71: {  	_ =	shalt  }
0x72: {  	_ =	shalt  }
0x73: {  	_ =	shalt  }
0x74: {  	_ =	shalt  }
0x75: {  	_ =	shalt  }
0x76: {  	_ =	shalt  }
0x77: {  	_ =	shalt  }
0x78: {  	_ =	shalt  }
0x79: {  	_ =	shalt  }
0x7a: {  	_ =	shalt  }
0x7b: {  	_ =	shalt  }
0x7c: {  	_ =	shalt  }
0x7d: {  	_ =	shalt  }
0x7e: {  	_ =	shalt  }
0x7f: {  	_ =	shalt  }
0x80: {  	_ =	shalt  }
0x81: {  	_ =	shalt  }
0x82: {  	_ =	shalt  }
0x83: {  	_ =	shalt  }
0x84: {  	_ =	shalt  }
0x85: {  	_ =	shalt  }
0x86: {  	_ =	shalt  }
0x87: {  	_ =	shalt  }
.Lfunc_end0:
.L_simem_size_0:
called_computation.1_lowered:
.L_overlay_start_0:
0x88: {  	s2 =	sld [smem:$0x3FD9]  }
0x89: {  	s3 =	sld [smem:$0x3FFE];
	_ =	sdelay $0x1  }
0x8a: {  	s1 =	srdreg.scid  }
0x8b: {  	s0 =	sand.u32 $0x1, s1  }
0x8c: {  	s16 =	sshll.u32 s0, $0xA;
	s2 =	sadd.s32 s3, s2  }
0x8d: {  	s2 =	sadd.s32 s2, s16  }
0x8e: {  	[smem:$0x3FC2] =	sst s2  }
0x8f: {  	_ = 	snop  }
0x90: {  	(tm) =	ssettm $0x1  }
0x91: {  	s17 =	sld [smem:$0x3FFB];
	_ =	sdelay $0x3  }
0x92: {  	_ =	strace s17  }
0x93: {  	s2 =	sld [smem:$0x3FFC];
	_ =	sdelay $0x3  }
0x94: {  	_ =	strace s2  }
0x95: {  	s2 =	sld [smem:$0x3FFD];
	_ =	sdelay $0x3  }
0x96: {  	_ =	strace s2  }
0x97: {  	_ =	strace $0x8FFFFFFF  }
0x98: {  	s18 =	sld [smem:$0x3FDB];
	_ =	sdelay $0x1  }
0x99: {  	s19 =	simm.s32 $_scs_section_size  }
0x9a: {  	s4 =	simm.s32 $_size__tile_overlayer_lowered;
	s5 =	simm.s32 $_tile_overlayer_lowered  }
0x9b: {  	s22 =	simm.s32 $0x1BFF;
	s21 =	sshll.u32 s5, $0x1;
	s2 =	sadd.s32 s19, s18  }
0x9c: {  	s6 =	simm.s32 $0x0;
	s20 =	sshll.u32 s4, $0x1;
	s4 =	sadd.s32 s21, s2  }
0x9d: {  	[timem:s6], [sflag:s22] =	dma.local [hbm:s4], s20  }
0x9e: {  	_ =	swait.ge [sflag:s22], s20  }
0x9f: {  	s3 =	ssub.s32 $0x0, s20;
	[sflag:s22] =	ssyncset.done $0x0  }
0xa0: {  	[sflag:s22] =	ssyncadd.s32 s3;
	_ =	sdelay $0x1  }
0xa1: {  	s23 =	simm.s32 $0x1B8B  }
0xa2: {  	_ =	swait.ge [sflag:s23], $0x1  }
0xa3: {  	[sflag:s23] =	ssyncset.done $0x0  }
0xa4: {  	s25 =	simm.s32 $0x1B8E;
	s24 =	sld [smem:$0x3FFE];
	[sflag:s23] =	ssyncadd.s32 $0xFFFFFFFF  }
0xa5: {  	s26 =	simm.s32 $execute0_lowered;
	[smem:$0x3FD2] =	sst s25  }
0xa6: {  	s4 =	sshll.u32 s26, $0x1;
	_ =	strace $0x80000049;
	[dreg:$0x1] =	wrdreg $0xFFFFFFFF  }
0xa7: {  	s28 =	simm.s32 $_size_execute0_lowered;
	s2 =	sadd.s32 s2, s4;
	[dreg:$0x0] =	wrdreg $0x0  }
0xa8: {  	s4 =	sshll.u32 s28, $0x1;
	[dreg:$0x2] =	wrdreg s2  }
0xa9: {  	[dreg:$0x3] =	wrdreg s4  }
0xaa: {  	[dreg:$0x4] =	wrdreg $0xC0  }
0xab: {  	_ =	task [dreg:s6], $0x5FFFF  }
0xac: {  	[dreg:$0x1] =	wrdreg $0xFFFFFFFF  }
0xad: {  	[dreg:$0x0] =	wrdreg $0x60  }
0xae: {  	[dreg:$0x2] =	wrdreg s24  }
0xaf: {  	[dreg:$0x3] =	wrdreg $0x91000  }
0xb0: {  	[dreg:$0x4] =	wrdreg $0x9  }
0xb1: {  	_ =	task.clear_ibuf [dreg:s6], $0x5FFFF;
	_ =	strace $0x90000049  }
0xb2: {  	s29 =	simm.s32 $0x9;
	_ =	strace $0x8000004B  }
0xb3: {  	_ =	swait.ge [sflag:s29], $0x1  }
0xb4: {  	[sflag:s29] =	ssyncadd.s32 $0xFFFFFFFF  }
0xb5: {  	_ =	strace $0x9000004B  }
0xb6: {  	_ =	sfence  }
0xb7: {  	s30 =	sld [smem:$0x0];
	_ =	sdelay $0x2  }
0xb8: {  	s31 =	sshll.u32 s1, $0xD;
	s1 =	sshrl.u32 s1, $0x2  }
0xb9: {  	s3 =	sand.u32 $0x4000, s31;
	s1 =	sadd.s32 s1, s30  }
0xba: {  	s0 =	sor.u32 s3, s0;
	s1 =	sshll.u32 s1, $0x11  }
0xbb: {  	s0 =	sor.u32 s1, s0  }
0xbc: {  	s0 =	sadd.s32 $0x8F2B, s0  }
0xbd: {  	[sflag:s0] =	ssyncadd.remote.s32 $0x1  }
0xbe: {  	_ =	sfence.sel $0xFFFF  }
0xbf: {  	[dreg:$0x0] =	wrdreg $0xFFFFFFFF;
	(pc) =	sbr.abs _section_cstart, $3  }
0xc0: {  	[dreg:$0x1] =	wrdreg $0xFFFFFFFF  }
0xc1: {  	_ =	task.clear_ibuf [dreg:s6], $0x2FFFF;
	_ =	strace $0x9FFFFFFF  }
0xc2: {  	(tm) =	ssettm $0x7FFFFFFF  }
0xc3: {  	_ =	shalt  }
tec
execute0_lowered:
.L_overlay_start_1:
0x0: {  	(tag) =	ssettag $0x1  }
0x1: {  	s0 =	srdreg.scid;
	s6 =	rddreg [dreg:$0x0]  }
0x2: {  	s2 =	rddreg [dreg:$0x1];
	s3 =	simm.s32 $0x0;
	s18 =	simm.s32 $0x6900  }
0x3: {  	s19 =	simm.s32 $0x1;
	s22 =	simm.s32 $0x0;
	s9 =	sand.u32 $0x1, s0  }
0x4: {  	s0 =	stileid.u32;
	[smem:$0x7FF] =	sst s3;
	s11 =	sadd.s32 $0x8CE00, s6  }
0x5: {  	s13 =	sadd.s32 $0xC2880, s2;
	s20 =	sadd.s32 $0xB9280, s2;
	s7 =	smul.u32 $0xCF80, s0  }
0x6: {  	s1 =	sshll.u32 s9, $0x4;
	s10 =	ssub.s32 $0x2, s9;
	s31 =	smul.u32 $0xC3500, s9  }
0x7: {  	s14 =	smul.u32 $0xC580, s0;
	p0 =	seq.s32 s9, $0x0;
	s9 =	simm.s32 $0x69  }
0x8: {  	s4 =	sor.u32 s0, s1;
	s1 =	rddreg [dreg:$0x2];
	_ =	strace $0x8000004A  }
0x9: {  	s12 =	sshrl.u32 s10, $0x1;
	s9 =	simm.s32 @!p0 $0x35;
	p0 =	seq.s32 s0, $0xF  }
0xa: {  	s5 =	smul.u32 $0x690, s4;
	s4 =	sadd.s32 $0xF800, s6;
	s30 =	sshrl.u32 s7, $0x3  }
0xb: {  	s12 =	ssub.s32 s10, s12;
	s15 =	sadd.s32 s7, s2;
	s16 =	sadd.s32 s14, s31  }
0xc: {  	s17 =	sshrl.u32 s31, $0x3;
	s21 =	sadd.s32 s14, s2;
	s13 =	sshrl.u32 @p0 s13, $0x3  }
0xd: {  	s14 =	sshll.u32 @!p0 s0, $0x6;
	s20 =	sshrl.u32 @p0 s20, $0x3;
	s16 =	sshrl.u32 s16, $0x3  }
0xe: {  	s12 =	smax.u32 s12, $0x1;
	s14 =	sor.u32 @!p0 $0x1C02, s14;
	s15 =	sshrl.u32 @!p0 s15, $0x3  }
0xf: {  	s21 =	sshrl.u32 @!p0 s21, $0x3;
	s8 =	sadd.s32 s5, s6;
	s5 =	sadd.s32 s30, s6  }
0x10: {  	s6 =	sadd.s32 $0x40510, s6;
	s10 =	sadd.s32 s11, s16;
	s11 =	sadd.s32 s11, s17  }
0x11: {  	s16 =	simm.s32 $0x2;
	s17 =	simm.s32 $0x80;
	s5 =	sadd.s32 $0x28000, s5  }
0x12: {  	s7 =	sadd.s32 $0x7FC00, s8;
	s8 =	sadd.s32 $0x72A00, s8;
	s11 =	sadd.s32 $0x17250, s11  }
.LBB2_1:
0x13: {  	s25 =	simm.s32 @p0 $0x1FC2;
	s24 =	simm.s32 @p0 $0x2  }
0x14: {  	[spmem:s13], [sflag:s25] =	dma.local @p0 [hbm:s6], $0x1590  }
0x15: {  	_ =	swait.ge @p0 [sflag:s24], $0x1590  }
0x16: {  	[sflag:s24] =	ssyncset.done @p0 $0x0  }
0x17: {  	s23 =	simm.s32 @!p0 $0x2;
	[sflag:s24] =	ssyncadd.s32 @p0 $0xFFFFEA70  }
0x18: {  	[spmem:s15], [sflag:s14] =	dma.local @!p0 [hbm:s5], $0x19F0  }
0x19: {  	_ =	swait.ge @!p0 [sflag:s23], $0x19F0  }
0x1a: {  	[sflag:s23] =	ssyncset.done @!p0 $0x0  }
0x1b: {  	[sflag:s23] =	ssyncadd.s32 @!p0 $0xFFFFE610  }
0x1c: {  	[tilespmem:s3], [sflag:$0x2] =	stream.linear.gather [hbm4b:s7+s3], $0x3480, $0x38;
	[tilespmem:$0x15E50] =	vst v63  }
0x1d: {  	_ =	swait.ge [sflag:s16], $0x3480  }
0x1e: {  	[sflag:s16] =	ssyncset.done $0x0  }
0x1f: {  	s26 =	simm.s32 $0x3480;
	[sflag:s16] =	ssyncadd.s32 $0xFFFFCB80  }
0x20: {  	[tilespmem:s26], [sflag:$0x2] =	stream.linear.gather [hbm4b:s8+s3], $0x3480, $0x38;
	[tilespmem:$0x15E50] =	vst v63  }
0x21: {  	_ =	swait.ge [sflag:s16], $0x3480  }
0x22: {  	[sflag:s16] =	ssyncset.done $0x0  }
0x23: {  	[sflag:s16] =	ssyncadd.s32 $0xFFFFCB80  }
0x24: {  	[bflag:$0x0] =	sbarrier.arrive $0xFFFF  }
0x25: {  	[tilespmem:s18], [sflag:$0x1] =	stream.indirect.gather [hbm4b:s4+s17], $0x50, s3, s17, $0xb8;
	[tilespmem:$0x15E50] =	vst v63  }
0x26: {  	p1 =	sne.s32 s9, $0x1;
	_ =	swait.ge [sflag:s19], $0x2800  }
.Ltmp0:
0x27: {  	[sflag:s19] =	ssyncset.done $0x0;
	(pc) =	sbr.rel @!p1 .LBB2_3-.Ltmp0, $4  }
0x28: {  	[sflag:s19] =	ssyncadd.s32 $0xFFFFD800  }
0x29: {  	[spmem:s2] =	stream.indirect.scatter.add.f32 [tilespmem:s18], [sflag:$0x2], $0x50, s26, s17, $0xb8;
	[tilespmem:$0x15E50] =	vst v63  }
0x2a: {  	_ =	swait.ge [sflag:s16], $0x2800  }
0x2b: {  	s28 =	sadd.s32 $0xFFFFFFFF, s9;
	s29 =	simm.s32 $0x0;
	[sflag:s16] =	ssyncset.done $0x0  }
.LBB2_2:
0x2c: {  	[sflag:s16] =	ssyncadd.s32 $0xFFFFD800;
	s29 =	sadd.s32 $0x80, s29;
	s26 =	sadd.s32 $0x80, s26  }
0x2d: {  	[tilespmem:s18], [sflag:$0x1] =	stream.indirect.gather [hbm4b:s4+s17], $0x50, s29, s17, $0xb8;
	[tilespmem:$0x15E50] =	vst v63  }
0x2e: {  	p1 =	sne.s32 s28, $0x1;
	s28 =	sadd.s32 $0xFFFFFFFF, s28;
	_ =	swait.ge [sflag:s19], $0x2800  }
.Ltmp1:
0x2f: {  	[sflag:s19] =	ssyncset.done $0x0;
	(pc) =	sbr.rel @p1 .LBB2_2-.Ltmp1, $4  }
0x30: {  	[sflag:s19] =	ssyncadd.s32 $0xFFFFD800  }
0x31: {  	[spmem:s2] =	stream.indirect.scatter.add.f32 [tilespmem:s18], [sflag:$0x2], $0x50, s26, s17, $0xb8;
	[tilespmem:$0x15E50] =	vst v63  }
0x32: {  	_ =	swait.ge [sflag:s16], $0x2800  }
0x33: {  	[sflag:s16] =	ssyncset.done $0x0  }
.LBB2_3:
0x34: {  	[sflag:s16] =	ssyncadd.s32 $0xFFFFD800  }
0x35: {  	[bflag:$0x0] =	sbarrier.arrive $0xFFFF  }
0x36: {  	[hbm:s11], [sflag:s25] =	dma.local @p0 [spmem:s20], $0x1450  }
0x37: {  	s22 =	sadd.s32 $0x1, s22;
	_ =	swait.ge @p0 [sflag:s24], $0x1450  }
0x38: {  	p1 =	sne.s32 s22, s12;
	[sflag:s24] =	ssyncset.done @p0 $0x0  }
.Ltmp2:
0x39: {  	[sflag:s24] =	ssyncadd.s32 @p0 $0xFFFFEBB0;
	(pc) =	sbr.rel @p1 .LBB2_1-.Ltmp2, $4  }
0x3a: {  	[hbm:s10], [sflag:s14] =	dma.local @!p0 [spmem:s21], $0x18B0  }
0x3b: {  	_ =	swait.ge @!p0 [sflag:s23], $0x18B0  }
0x3c: {  	[sflag:s23] =	ssyncset.done @!p0 $0x0  }
0x3d: {  	[sflag:s23] =	ssyncadd.s32 @!p0 $0xFFFFE750  }
0x3e: {  	_ =	sfence.sel $0x180000  }
0x3f: {  	[bflag:$0x0] =	sbarrier.arrive $0xFFFF  }
0x40: {  	p0 =	sne.s32 s0, $0x0;
	_ =	strace $0x9000004A  }
0x41: {  	s0 =	sadd.s32 @!p0 $0x100000, s1;
	[bflag:$0x2] =	sbarrier.arrive $0xFFFF  }
0x42: {  	[sflag:s0] =	ssyncadd.tile.s32 @!p0 $0x1;
	_ =	shalt  }
.Lfunc_end2:
_tile_overlayer_lowered:
.L_overlay_start_2:
0x43: {  	(tag) =	ssettag $0x2  }
0x44: {  	s0 =	rddreg [dreg:$0x0];
	s2 =	stileid.u32  }
0x45: {  	s1 =	rddreg [dreg:$0x1];
	p0 =	sne.s32 s2, $0x0  }
0x46: {  	s3 =	rddreg [dreg:$0x2];
	[bflag:$0x3] =	sbarrier.arrive $0xFFFF;
	s2 =	simm.s32 @!p0 $0x1C02  }
0x47: {  	[timem:s3], [sflag:s2] =	dma.local @!p0 [hbm:s0], s1  }
0x48: {  	s0 =	simm.s32 @!p0 $0x2  }
0x49: {  	_ =	swait.ge @!p0 [sflag:s0], s1  }
0x4a: {  	s1 =	ssub.s32 @!p0 $0x0, s1;
	[sflag:s0] =	ssyncset.done @!p0 $0x0  }
0x4b: {  	[sflag:s0] =	ssyncadd.s32 @!p0 s1  }
0x4c: {  	[bflag:$0x3] =	sbarrier.arrive $0xFFFF  }
0x4d: {  	_ =	shalt  }

// kernel: kernel.17.cloned.1.call-start
scs
__scs_entry_jumppad:
0x0: {  	(pc) =	sbr.rel $0x88, $3  }
0x1: {  	(tag) =	ssettag $0x0;
	lr =	simm.s32 $0x1  }
0x2: {  	[smem:$0x3F9B] =	sst lr;
	_ =	strace $0xD0000000  }
0x3: {  	_ = 	snop  }
0x4: {  	_ = 	snop  }
0x5: {  	_ = 	snop  }
0x6: {  	_ = 	snop  }
0x7: {  	_ = 	snop  }
__scs_overlays_trampoline_lowered:
0x8: {  	[smem:$0x3FAA] =	sst s0  }
0x9: {  	[smem:$0x3FAB] =	sst s1  }
0xa: {  	[smem:$0x3FAC] =	sst s2  }
0xb: {  	[smem:$0x3FAD] =	sst s3  }
0xc: {  	[smem:$0x3FAE] =	sst s4  }
0xd: {  	[smem:$0x3FAF] =	sst s5  }
0xe: {  	[smem:$0x3FB0] =	sst s6  }
0xf: {  	[smem:$0x3FB1] =	sst s7  }
0x10: {  	[smem:$0x3FB2] =	sst s8  }
0x11: {  	[smem:$0x3FB3] =	sst s9;
	s0 =	simm.s32 @!p0 $0x0  }
0x12: {  	s1 =	sld [smem:$0x3F99];
	s0 =	simm.s32 @p0 $0x1  }
0x13: {  	[smem:$0x3FB4] =	sst s0;
	s0 =	simm.s32 @!p1 $0x0  }
0x14: {  	s2 =	sld [smem:$0x3F98];
	s0 =	simm.s32 @p1 $0x1  }
0x15: {  	[smem:$0x3FB5] =	sst s0;
	s0 =	simm.s32 @!p2 $0x0  }
0x16: {  	s3 =	sld [smem:$0x3FDB];
	s0 =	simm.s32 @p2 $0x1  }
0x17: {  	s4 =	simm.s32 $0x1BF5;
	[smem:$0x3FB7] =	sst s0  }
0x18: {  	s0 =	sld [smem:$0x3F9A];
	_ =	swait.ge [sflag:s4], $0x0  }
0x19: {  	s7 =	sld [smem:$0x3F9B]  }
0x1a: {  	s8 =	sadd.s32 $0xFFFFE003, lr  }
0x1b: {  	s9 =	sadd.s32 $0xFFFFFEF7, lr;
	s5 =	simm.s32 $0xFFFFFFFF;
	p2 =	slt.u32 s8, $0xFFFFF086  }
0x1c: {  	p1 =	slt.u32 s9, $0xF7A;
	s5 =	simm.s32 @!p2 $0x0  }
0x1d: {  	s5 =	simm.s32 @p1 $0x1;
	p0 =	seq.s32 s7, s2  }
0x1e: {  	s7 =	smul.u32 @!p0 $0xF7A, s2;
	p2 =	seq.s32 @!p0 s5, $0x0  }
0x1f: {  	s9 =	smul.u32 $0xF7A, s1;
	s8 =	simm.s32 @!p0 $0x1BF5;
	p2 =	por !p2, p0  }
0x20: {  	[sflag:s8] =	ssyncset.s32 @!p0 $0xFFFFF086;
	s6 =	sadd.s32 @!p0 s3, s7;
	s7 =	simm.s32 @!p0 $0x108  }
0x21: {  	s3 =	sadd.s32 s3, s9;
	s6 =	sadd.s32 @!p0 $0x88, s6;
	s7 =	simm.s32 @p2 $0x1082  }
0x22: {  	[simem:s7], [sflag:s8] =	dma.local @!p0 [hbm:s6], $0xF7A  }
0x23: {  	s9 =	sor.u32 $0xD0000000, s2;
	s6 =	simm.s32 $0x108;
	_ =	swait.ge @!p0 [sflag:s8], $0x0  }
0x24: {  	s3 =	sadd.s32 $0x88, s3;
	s6 =	simm.s32 @!p1 $0x1082;
	[sflag:s4] =	ssyncset.s32 $0xFFFFF086  }
0x25: {  	[simem:s6], [sflag:s4] =	dma.local [hbm:s3], $0xF7A  }
0x26: {  	[smem:$0x3F9B] =	sst s1;
	(tag) =	ssettag s2;
	_ =	strace s9  }
0x27: {  	s1 =	sld [smem:$0x3FAB]  }
0x28: {  	s2 =	sld [smem:$0x3FAC]  }
0x29: {  	s4 =	sld [smem:$0x3FAE]  }
0x2a: {  	p0 =	seq.s32 s5, $0x0;
	s5 =	sld [smem:$0x3FAF]  }
0x2b: {  	s6 =	sld [smem:$0x3FB0]  }
0x2c: {  	s7 =	sld [smem:$0x3FB1]  }
0x2d: {  	s3 =	simm.s32 $0x108;
	s8 =	sld [smem:$0x3FB2]  }
0x2e: {  	s3 =	simm.s32 @!p0 $0x1082;
	s9 =	sld [smem:$0x3FB3]  }
0x2f: {  	lr =	sadd.s32 s0, s3;
	s0 =	sld [smem:$0x3FAA]  }
0x30: {  	s3 =	sld [smem:$0x3FAD]  }
0x31: {  	[smem:$0x3FB6] =	sst s10  }
0x32: {  	s10 =	sld [smem:$0x3FB4];
	_ =	sdelay $0x3  }
0x33: {  	p0 =	seq.s32 s10, $0x1;
	s10 =	sld [smem:$0x3FB6];
	_ =	sdelay $0x3  }
0x34: {  	[smem:$0x3FB6] =	sst s10  }
0x35: {  	s10 =	sld [smem:$0x3FB5];
	_ =	sdelay $0x3  }
0x36: {  	p1 =	seq.s32 s10, $0x1;
	s10 =	sld [smem:$0x3FB6];
	_ =	sdelay $0x3  }
0x37: {  	[smem:$0x3FB6] =	sst s10  }
0x38: {  	s10 =	sld [smem:$0x3FB7]  }
0x39: {  	_ = 	snop;
	(pc) =	sbr.ind lr, $3  }
0x3a: {  	_ = 	snop  }
0x3b: {  	_ = 	snop  }
0x3c: {  	p2 =	seq.s32 s10, $0x1;
	s10 =	sld [smem:$0x3FB6]  }
0x3d: {  	_ =	shalt  }
0x3e: {  	_ =	shalt  }
0x3f: {  	_ =	shalt  }
0x40: {  	_ =	shalt  }
0x41: {  	_ =	shalt  }
0x42: {  	_ =	shalt  }
0x43: {  	_ =	shalt  }
0x44: {  	_ =	shalt  }
0x45: {  	_ =	shalt  }
0x46: {  	_ =	shalt  }
0x47: {  	_ =	shalt  }
0x48: {  	_ =	shalt  }
0x49: {  	_ =	shalt  }
0x4a: {  	_ =	shalt  }
0x4b: {  	_ =	shalt  }
0x4c: {  	_ =	shalt  }
0x4d: {  	_ =	shalt  }
0x4e: {  	_ =	shalt  }
0x4f: {  	_ =	shalt  }
0x50: {  	_ =	shalt  }
0x51: {  	_ =	shalt  }
0x52: {  	_ =	shalt  }
0x53: {  	_ =	shalt  }
0x54: {  	_ =	shalt  }
0x55: {  	_ =	shalt  }
0x56: {  	_ =	shalt  }
0x57: {  	_ =	shalt  }
0x58: {  	_ =	shalt  }
0x59: {  	_ =	shalt  }
0x5a: {  	_ =	shalt  }
0x5b: {  	_ =	shalt  }
0x5c: {  	_ =	shalt  }
0x5d: {  	_ =	shalt  }
0x5e: {  	_ =	shalt  }
0x5f: {  	_ =	shalt  }
0x60: {  	_ =	shalt  }
0x61: {  	_ =	shalt  }
0x62: {  	_ =	shalt  }
0x63: {  	_ =	shalt  }
0x64: {  	_ =	shalt  }
0x65: {  	_ =	shalt  }
0x66: {  	_ =	shalt  }
0x67: {  	_ =	shalt  }
0x68: {  	_ =	shalt  }
0x69: {  	_ =	shalt  }
0x6a: {  	_ =	shalt  }
0x6b: {  	_ =	shalt  }
0x6c: {  	_ =	shalt  }
0x6d: {  	_ =	shalt  }
0x6e: {  	_ =	shalt  }
0x6f: {  	_ =	shalt  }
0x70: {  	_ =	shalt  }
0x71: {  	_ =	shalt  }
0x72: {  	_ =	shalt  }
0x73: {  	_ =	shalt  }
0x74: {  	_ =	shalt  }
0x75: {  	_ =	shalt  }
0x76: {  	_ =	shalt  }
0x77: {  	_ =	shalt  }
0x78: {  	_ =	shalt  }
0x79: {  	_ =	shalt  }
0x7a: {  	_ =	shalt  }
0x7b: {  	_ =	shalt  }
0x7c: {  	_ =	shalt  }
0x7d: {  	_ =	shalt  }
0x7e: {  	_ =	shalt  }
0x7f: {  	_ =	shalt  }
0x80: {  	_ =	shalt  }
0x81: {  	_ =	shalt  }
0x82: {  	_ =	shalt  }
0x83: {  	_ =	shalt  }
0x84: {  	_ =	shalt  }
0x85: {  	_ =	shalt  }
0x86: {  	_ =	shalt  }
0x87: {  	_ =	shalt  }
.Lfunc_end0:
.L_simem_size_0:
called_computation.2_lowered:
.L_overlay_start_0:
0x88: {  	s2 =	sld [smem:$0x3FD9]  }
0x89: {  	s3 =	sld [smem:$0x3FFE];
	_ =	sdelay $0x1  }
0x8a: {  	s1 =	srdreg.scid  }
0x8b: {  	s0 =	sand.u32 $0x1, s1  }
0x8c: {  	s17 =	sshll.u32 s0, $0xA;
	s2 =	sadd.s32 s3, s2  }
0x8d: {  	s2 =	sadd.s32 s2, s17  }
0x8e: {  	[smem:$0x3FC2] =	sst s2  }
0x8f: {  	_ = 	snop  }
0x90: {  	s2 =	sld [smem:$0x3FD0];
	(tm) =	ssettm $0x1  }
0x91: {  	s18 =	sld [smem:$0x3FFB];
	_ =	sdelay $0x3  }
0x92: {  	_ =	strace s18  }
0x93: {  	s3 =	sld [smem:$0x3FFC];
	_ =	sdelay $0x3  }
0x94: {  	_ =	strace s3  }
0x95: {  	s3 =	sld [smem:$0x3FFD];
	_ =	sdelay $0x3  }
0x96: {  	_ =	strace s3  }
0x97: {  	_ =	strace $0x8FFFFFFF  }
0x98: {  	s19 =	sld [smem:$0x3FDB];
	_ =	sdelay $0x1  }
0x99: {  	s4 =	simm.s32 $_scs_section_size  }
0x9a: {  	s5 =	simm.s32 $_size__tile_overlayer_lowered;
	s6 =	simm.s32 $_tile_overlayer_lowered  }
0x9b: {  	s22 =	simm.s32 $0x1BFF;
	s21 =	sshll.u32 s6, $0x1;
	s3 =	sadd.s32 s4, s19  }
0x9c: {  	s7 =	simm.s32 $0x0;
	s20 =	sshll.u32 s5, $0x1;
	s5 =	sadd.s32 s21, s3  }
0x9d: {  	[timem:s7], [sflag:s22] =	dma.local [hbm:s5], s20  }
0x9e: {  	_ =	swait.ge [sflag:s22], s20  }
0x9f: {  	s4 =	ssub.s32 $0x0, s20;
	[sflag:s22] =	ssyncset.done $0x0  }
0xa0: {  	[sflag:s22] =	ssyncadd.s32 s4;
	_ =	sdelay $0x1  }
0xa1: {  	s23 =	simm.s32 $0x1B8B  }
0xa2: {  	_ =	swait.ge [sflag:s23], $0x1  }
0xa3: {  	[sflag:s23] =	ssyncset.done $0x0  }
0xa4: {  	s25 =	simm.s32 $0x1B8E;
	s24 =	sld [smem:$0x3FFE];
	[sflag:s23] =	ssyncadd.s32 $0xFFFFFFFF  }
0xa5: {  	s26 =	simm.s32 $execute0_lowered;
	[smem:$0x3FD2] =	sst s25  }
0xa6: {  	s5 =	sshll.u32 s26, $0x1;
	_ =	strace $0x8000004C;
	[dreg:$0x1] =	wrdreg $0xFFFFFFFF  }
0xa7: {  	s28 =	simm.s32 $_size_execute0_lowered;
	s3 =	sadd.s32 s3, s5;
	[dreg:$0x0] =	wrdreg $0x0  }
0xa8: {  	s5 =	sshll.u32 s28, $0x1;
	[dreg:$0x2] =	wrdreg s3  }
0xa9: {  	[dreg:$0x3] =	wrdreg s5  }
0xaa: {  	[dreg:$0x4] =	wrdreg $0xC0  }
0xab: {  	_ =	task [dreg:s7], $0x5FFFF  }
0xac: {  	[dreg:$0x1] =	wrdreg $0xFFFFFFFF  }
0xad: {  	[dreg:$0x0] =	wrdreg $0x60  }
0xae: {  	[dreg:$0x2] =	wrdreg s24  }
0xaf: {  	[dreg:$0x3] =	wrdreg s2  }
0xb0: {  	[dreg:$0x4] =	wrdreg $0x91000  }
0xb1: {  	[dreg:$0x5] =	wrdreg $0x9  }
0xb2: {  	_ =	task.clear_ibuf [dreg:s7], $0x6FFFF;
	_ =	strace $0x9000004C  }
0xb3: {  	s29 =	simm.s32 $0x9;
	_ =	strace $0x8000004E  }
0xb4: {  	_ =	swait.ge [sflag:s29], $0x1  }
0xb5: {  	[sflag:s29] =	ssyncadd.s32 $0xFFFFFFFF  }
0xb6: {  	_ =	strace $0x9000004E  }
0xb7: {  	_ =	sfence  }
0xb8: {  	s30 =	sld [smem:$0x0];
	_ =	sdelay $0x2  }
0xb9: {  	s31 =	sshll.u32 s1, $0xD;
	s1 =	sshrl.u32 s1, $0x2  }
0xba: {  	s3 =	sand.u32 $0x4000, s31;
	s1 =	sadd.s32 s1, s30  }
0xbb: {  	s0 =	sor.u32 s3, s0;
	s1 =	sshll.u32 s1, $0x11  }
0xbc: {  	s0 =	sor.u32 s1, s0  }
0xbd: {  	s0 =	sadd.s32 $0x8F2B, s0  }
0xbe: {  	[sflag:s0] =	ssyncadd.remote.s32 $0x1  }
0xbf: {  	_ =	sfence.sel $0xFFFF  }
0xc0: {  	[dreg:$0x0] =	wrdreg $0xFFFFFFFF;
	(pc) =	sbr.abs _section_cstart, $3  }
0xc1: {  	[dreg:$0x1] =	wrdreg $0xFFFFFFFF  }
0xc2: {  	_ =	task.clear_ibuf [dreg:s7], $0x2FFFF;
	_ =	strace $0x9FFFFFFF  }
0xc3: {  	(tm) =	ssettm $0x7FFFFFFF  }
tec
execute0_lowered:
.L_overlay_start_1:
0x0: {  	(tag) =	ssettag $0x1  }
0x1: {  	s6 =	rddreg [dreg:$0x0]  }
0x2: {  	s0 =	srdreg.scid;
	s7 =	rddreg [dreg:$0x1]  }
0x3: {  	s2 =	rddreg [dreg:$0x2];
	s3 =	simm.s32 $0x0;
	s17 =	simm.s32 $0x80  }
0x4: {  	s18 =	simm.s32 $0x6900;
	s19 =	simm.s32 $0x1;
	s22 =	simm.s32 $0x0  }
0x5: {  	s9 =	sand.u32 $0x1, s0;
	s0 =	stileid.u32;
	[smem:$0x7FF] =	sst s3  }
0x6: {  	s13 =	sadd.s32 $0xB4000, s6;
	s16 =	sadd.s32 $0xC2880, s2;
	s5 =	smul.u32 $0xCF80, s0  }
0x7: {  	s20 =	sadd.s32 $0xB9280, s2;
	s1 =	sshll.u32 s9, $0x4;
	s28 =	smul.u32 $0xC3500, s9  }
0x8: {  	s12 =	ssub.s32 $0x2, s9;
	s29 =	smul.u32 $0xC580, s0;
	p0 =	seq.s32 s9, $0x0  }
0x9: {  	s9 =	simm.s32 $0x69;
	s4 =	sor.u32 s0, s1;
	s1 =	rddreg [dreg:$0x3]  }
0xa: {  	_ =	strace $0x8000004D;
	s14 =	sshrl.u32 s12, $0x1;
	s9 =	simm.s32 @!p0 $0x35  }
0xb: {  	p0 =	seq.s32 s0, $0xF;
	s8 =	smul.u32 $0x690, s4;
	s4 =	sadd.s32 $0xF800, s6  }
0xc: {  	s11 =	sshrl.u32 s5, $0x3;
	s12 =	ssub.s32 s12, s14;
	s15 =	sadd.s32 s5, s2  }
0xd: {  	s30 =	sadd.s32 s29, s28;
	s14 =	sshrl.u32 s28, $0x3;
	s21 =	sadd.s32 s29, s2  }
0xe: {  	s20 =	sshrl.u32 @p0 s20, $0x3;
	s11 =	sadd.s32 s11, s6;
	s31 =	sadd.s32 s13, s14  }
0xf: {  	s12 =	smax.u32 s12, $0x1;
	s14 =	sshll.u32 @!p0 s0, $0x6;
	s15 =	sshrl.u32 @!p0 s15, $0x3  }
0x10: {  	s21 =	sshrl.u32 @!p0 s21, $0x3;
	s10 =	sadd.s32 s8, s6;
	s5 =	sadd.s32 $0x28000, s11  }
0x11: {  	s6 =	sadd.s32 $0x40510, s6;
	s7 =	sadd.s32 s7, s8;
	s11 =	sadd.s32 $0x17250, s31  }
0x12: {  	s14 =	sor.u32 @!p0 $0x1C02, s14;
	s8 =	sadd.s32 $0x2600, s10;
	s10 =	sshrl.u32 s30, $0x3  }
0x13: {  	s10 =	sadd.s32 s13, s10;
	s13 =	sshrl.u32 @p0 s16, $0x3;
	s16 =	simm.s32 $0x2  }
.LBB2_1:
0x14: {  	s25 =	simm.s32 @p0 $0x1FC2;
	s24 =	simm.s32 @p0 $0x2  }
0x15: {  	[spmem:s13], [sflag:s25] =	dma.local @p0 [hbm:s6], $0x1590  }
0x16: {  	_ =	swait.ge @p0 [sflag:s24], $0x1590  }
0x17: {  	[sflag:s24] =	ssyncset.done @p0 $0x0  }
0x18: {  	s23 =	simm.s32 @!p0 $0x2;
	[sflag:s24] =	ssyncadd.s32 @p0 $0xFFFFEA70  }
0x19: {  	[spmem:s15], [sflag:s14] =	dma.local @!p0 [hbm:s5], $0x19F0  }
0x1a: {  	_ =	swait.ge @!p0 [sflag:s23], $0x19F0  }
0x1b: {  	[sflag:s23] =	ssyncset.done @!p0 $0x0  }
0x1c: {  	[sflag:s23] =	ssyncadd.s32 @!p0 $0xFFFFE610  }
0x1d: {  	[tilespmem:s3], [sflag:$0x2] =	stream.linear.gather [hbm4b:s7+s3], $0x3480, $0x38;
	[tilespmem:$0x15E50] =	vst v63  }
0x1e: {  	_ =	swait.ge [sflag:s16], $0x3480  }
0x1f: {  	[sflag:s16] =	ssyncset.done $0x0  }
0x20: {  	s26 =	simm.s32 $0x3480;
	[sflag:s16] =	ssyncadd.s32 $0xFFFFCB80  }
0x21: {  	[tilespmem:s26], [sflag:$0x2] =	stream.linear.gather [hbm4b:s8+s3], $0x3480, $0x38;
	[tilespmem:$0x15E50] =	vst v63  }
0x22: {  	_ =	swait.ge [sflag:s16], $0x3480  }
0x23: {  	[sflag:s16] =	ssyncset.done $0x0  }
0x24: {  	[sflag:s16] =	ssyncadd.s32 $0xFFFFCB80  }
0x25: {  	[bflag:$0x0] =	sbarrier.arrive $0xFFFF  }
0x26: {  	[tilespmem:s18], [sflag:$0x1] =	stream.indirect.gather [hbm4b:s4+s17], $0x50, s3, s17, $0xb8;
	[tilespmem:$0x15E50] =	vst v63  }
0x27: {  	p1 =	sne.s32 s9, $0x1;
	_ =	swait.ge [sflag:s19], $0x2800  }
.Ltmp0:
0x28: {  	[sflag:s19] =	ssyncset.done $0x0;
	(pc) =	sbr.rel @!p1 .LBB2_3-.Ltmp0, $4  }
0x29: {  	[sflag:s19] =	ssyncadd.s32 $0xFFFFD800  }
0x2a: {  	[spmem:s2] =	stream.indirect.scatter.add.f32 [tilespmem:s18], [sflag:$0x2], $0x50, s26, s17, $0xb8;
	[tilespmem:$0x15E50] =	vst v63  }
0x2b: {  	_ =	swait.ge [sflag:s16], $0x2800  }
0x2c: {  	s28 =	sadd.s32 $0xFFFFFFFF, s9;
	s29 =	simm.s32 $0x0;
	[sflag:s16] =	ssyncset.done $0x0  }
.LBB2_2:
0x2d: {  	[sflag:s16] =	ssyncadd.s32 $0xFFFFD800;
	s29 =	sadd.s32 $0x80, s29;
	s26 =	sadd.s32 $0x80, s26  }
0x2e: {  	[tilespmem:s18], [sflag:$0x1] =	stream.indirect.gather [hbm4b:s4+s17], $0x50, s29, s17, $0xb8;
	[tilespmem:$0x15E50] =	vst v63  }
0x2f: {  	p1 =	sne.s32 s28, $0x1;
	s28 =	sadd.s32 $0xFFFFFFFF, s28;
	_ =	swait.ge [sflag:s19], $0x2800  }
.Ltmp1:
0x30: {  	[sflag:s19] =	ssyncset.done $0x0;
	(pc) =	sbr.rel @p1 .LBB2_2-.Ltmp1, $4  }
0x31: {  	[sflag:s19] =	ssyncadd.s32 $0xFFFFD800  }
0x32: {  	[spmem:s2] =	stream.indirect.scatter.add.f32 [tilespmem:s18], [sflag:$0x2], $0x50, s26, s17, $0xb8;
	[tilespmem:$0x15E50] =	vst v63  }
0x33: {  	_ =	swait.ge [sflag:s16], $0x2800  }
0x34: {  	[sflag:s16] =	ssyncset.done $0x0  }
.LBB2_3:
0x35: {  	[sflag:s16] =	ssyncadd.s32 $0xFFFFD800  }
0x36: {  	[bflag:$0x0] =	sbarrier.arrive $0xFFFF  }
0x37: {  	[hbm:s11], [sflag:s25] =	dma.local @p0 [spmem:s20], $0x1450  }
0x38: {  	s22 =	sadd.s32 $0x1, s22;
	_ =	swait.ge @p0 [sflag:s24], $0x1450  }
0x39: {  	p1 =	sne.s32 s22, s12;
	[sflag:s24] =	ssyncset.done @p0 $0x0  }
.Ltmp2:
0x3a: {  	[sflag:s24] =	ssyncadd.s32 @p0 $0xFFFFEBB0;
	(pc) =	sbr.rel @p1 .LBB2_1-.Ltmp2, $4  }
0x3b: {  	[hbm:s10], [sflag:s14] =	dma.local @!p0 [spmem:s21], $0x18B0  }
0x3c: {  	_ =	swait.ge @!p0 [sflag:s23], $0x18B0  }
0x3d: {  	[sflag:s23] =	ssyncset.done @!p0 $0x0  }
0x3e: {  	[sflag:s23] =	ssyncadd.s32 @!p0 $0xFFFFE750  }
0x3f: {  	_ =	sfence.sel $0x180000  }
0x40: {  	[bflag:$0x0] =	sbarrier.arrive $0xFFFF  }
0x41: {  	p0 =	sne.s32 s0, $0x0;
	_ =	strace $0x9000004D  }
0x42: {  	s0 =	sadd.s32 @!p0 $0x100000, s1;
	[bflag:$0x2] =	sbarrier.arrive $0xFFFF  }
0x43: {  	[sflag:s0] =	ssyncadd.tile.s32 @!p0 $0x1;
	_ =	shalt  }
.Lfunc_end2:
_tile_overlayer_lowered:
.L_overlay_start_2:
0x44: {  	(tag) =	ssettag $0x2  }
0x45: {  	s0 =	rddreg [dreg:$0x0];
	s2 =	stileid.u32  }
0x46: {  	s1 =	rddreg [dreg:$0x1];
	p0 =	sne.s32 s2, $0x0  }
0x47: {  	s3 =	rddreg [dreg:$0x2];
	[bflag:$0x3] =	sbarrier.arrive $0xFFFF;
	s2 =	simm.s32 @!p0 $0x1C02  }
0x48: {  	[timem:s3], [sflag:s2] =	dma.local @!p0 [hbm:s0], s1  }
0x49: {  	s0 =	simm.s32 @!p0 $0x2  }
0x4a: {  	_ =	swait.ge @!p0 [sflag:s0], s1  }
0x4b: {  	s1 =	ssub.s32 @!p0 $0x0, s1;
	[sflag:s0] =	ssyncset.done @!p0 $0x0  }
0x4c: {  	[sflag:s0] =	ssyncadd.s32 @!p0 s1  }
0x4d: {  	[bflag:$0x3] =	sbarrier.arrive $0xFFFF  }
0x4e: {  	_ =	shalt  }

// kernel: kernel.20.cloned.1.call-start
scs
__scs_entry_jumppad:
0x0: {  	(pc) =	sbr.rel $0x88, $3  }
0x1: {  	(tag) =	ssettag $0x0;
	lr =	simm.s32 $0x1  }
0x2: {  	[smem:$0x3F9B] =	sst lr;
	_ =	strace $0xD0000000  }
0x3: {  	_ = 	snop  }
0x4: {  	_ = 	snop  }
0x5: {  	_ = 	snop  }
0x6: {  	_ = 	snop  }
0x7: {  	_ = 	snop  }
__scs_overlays_trampoline_lowered:
0x8: {  	[smem:$0x3FAA] =	sst s0  }
0x9: {  	[smem:$0x3FAB] =	sst s1  }
0xa: {  	[smem:$0x3FAC] =	sst s2  }
0xb: {  	[smem:$0x3FAD] =	sst s3  }
0xc: {  	[smem:$0x3FAE] =	sst s4  }
0xd: {  	[smem:$0x3FAF] =	sst s5  }
0xe: {  	[smem:$0x3FB0] =	sst s6  }
0xf: {  	[smem:$0x3FB1] =	sst s7  }
0x10: {  	[smem:$0x3FB2] =	sst s8  }
0x11: {  	[smem:$0x3FB3] =	sst s9;
	s0 =	simm.s32 @!p0 $0x0  }
0x12: {  	s1 =	sld [smem:$0x3F99];
	s0 =	simm.s32 @p0 $0x1  }
0x13: {  	[smem:$0x3FB4] =	sst s0;
	s0 =	simm.s32 @!p1 $0x0  }
0x14: {  	s2 =	sld [smem:$0x3F98];
	s0 =	simm.s32 @p1 $0x1  }
0x15: {  	[smem:$0x3FB5] =	sst s0;
	s0 =	simm.s32 @!p2 $0x0  }
0x16: {  	s3 =	sld [smem:$0x3FDB];
	s0 =	simm.s32 @p2 $0x1  }
0x17: {  	s4 =	simm.s32 $0x1BF5;
	[smem:$0x3FB7] =	sst s0  }
0x18: {  	s0 =	sld [smem:$0x3F9A];
	_ =	swait.ge [sflag:s4], $0x0  }
0x19: {  	s7 =	sld [smem:$0x3F9B]  }
0x1a: {  	s8 =	sadd.s32 $0xFFFFE003, lr  }
0x1b: {  	s9 =	sadd.s32 $0xFFFFFEF7, lr;
	s5 =	simm.s32 $0xFFFFFFFF;
	p2 =	slt.u32 s8, $0xFFFFF086  }
0x1c: {  	p1 =	slt.u32 s9, $0xF7A;
	s5 =	simm.s32 @!p2 $0x0  }
0x1d: {  	s5 =	simm.s32 @p1 $0x1;
	p0 =	seq.s32 s7, s2  }
0x1e: {  	s7 =	smul.u32 @!p0 $0xF7A, s2;
	p2 =	seq.s32 @!p0 s5, $0x0  }
0x1f: {  	s9 =	smul.u32 $0xF7A, s1;
	s8 =	simm.s32 @!p0 $0x1BF5;
	p2 =	por !p2, p0  }
0x20: {  	[sflag:s8] =	ssyncset.s32 @!p0 $0xFFFFF086;
	s6 =	sadd.s32 @!p0 s3, s7;
	s7 =	simm.s32 @!p0 $0x108  }
0x21: {  	s3 =	sadd.s32 s3, s9;
	s6 =	sadd.s32 @!p0 $0x88, s6;
	s7 =	simm.s32 @p2 $0x1082  }
0x22: {  	[simem:s7], [sflag:s8] =	dma.local @!p0 [hbm:s6], $0xF7A  }
0x23: {  	s9 =	sor.u32 $0xD0000000, s2;
	s6 =	simm.s32 $0x108;
	_ =	swait.ge @!p0 [sflag:s8], $0x0  }
0x24: {  	s3 =	sadd.s32 $0x88, s3;
	s6 =	simm.s32 @!p1 $0x1082;
	[sflag:s4] =	ssyncset.s32 $0xFFFFF086  }
0x25: {  	[simem:s6], [sflag:s4] =	dma.local [hbm:s3], $0xF7A  }
0x26: {  	[smem:$0x3F9B] =	sst s1;
	(tag) =	ssettag s2;
	_ =	strace s9  }
0x27: {  	s1 =	sld [smem:$0x3FAB]  }
0x28: {  	s2 =	sld [smem:$0x3FAC]  }
0x29: {  	s4 =	sld [smem:$0x3FAE]  }
0x2a: {  	p0 =	seq.s32 s5, $0x0;
	s5 =	sld [smem:$0x3FAF]  }
0x2b: {  	s6 =	sld [smem:$0x3FB0]  }
0x2c: {  	s7 =	sld [smem:$0x3FB1]  }
0x2d: {  	s3 =	simm.s32 $0x108;
	s8 =	sld [smem:$0x3FB2]  }
0x2e: {  	s3 =	simm.s32 @!p0 $0x1082;
	s9 =	sld [smem:$0x3FB3]  }
0x2f: {  	lr =	sadd.s32 s0, s3;
	s0 =	sld [smem:$0x3FAA]  }
0x30: {  	s3 =	sld [smem:$0x3FAD]  }
0x31: {  	[smem:$0x3FB6] =	sst s10  }
0x32: {  	s10 =	sld [smem:$0x3FB4];
	_ =	sdelay $0x3  }
0x33: {  	p0 =	seq.s32 s10, $0x1;
	s10 =	sld [smem:$0x3FB6];
	_ =	sdelay $0x3  }
0x34: {  	[smem:$0x3FB6] =	sst s10  }
0x35: {  	s10 =	sld [smem:$0x3FB5];
	_ =	sdelay $0x3  }
0x36: {  	p1 =	seq.s32 s10, $0x1;
	s10 =	sld [smem:$0x3FB6];
	_ =	sdelay $0x3  }
0x37: {  	[smem:$0x3FB6] =	sst s10  }
0x38: {  	s10 =	sld [smem:$0x3FB7]  }
0x39: {  	_ = 	snop;
	(pc) =	sbr.ind lr, $3  }
0x3a: {  	_ = 	snop  }
0x3b: {  	_ = 	snop  }
0x3c: {  	p2 =	seq.s32 s10, $0x1;
	s10 =	sld [smem:$0x3FB6]  }
0x3d: {  	_ =	shalt  }
0x3e: {  	_ =	shalt  }
0x3f: {  	_ =	shalt  }
0x40: {  	_ =	shalt  }
0x41: {  	_ =	shalt  }
0x42: {  	_ =	shalt  }
0x43: {  	_ =	shalt  }
0x44: {  	_ =	shalt  }
0x45: {  	_ =	shalt  }
0x46: {  	_ =	shalt  }
0x47: {  	_ =	shalt  }
0x48: {  	_ =	shalt  }
0x49: {  	_ =	shalt  }
0x4a: {  	_ =	shalt  }
0x4b: {  	_ =	shalt  }
0x4c: {  	_ =	shalt  }
0x4d: {  	_ =	shalt  }
0x4e: {  	_ =	shalt  }
0x4f: {  	_ =	shalt  }
0x50: {  	_ =	shalt  }
0x51: {  	_ =	shalt  }
0x52: {  	_ =	shalt  }
0x53: {  	_ =	shalt  }
0x54: {  	_ =	shalt  }
0x55: {  	_ =	shalt  }
0x56: {  	_ =	shalt  }
0x57: {  	_ =	shalt  }
0x58: {  	_ =	shalt  }
0x59: {  	_ =	shalt  }
0x5a: {  	_ =	shalt  }
0x5b: {  	_ =	shalt  }
0x5c: {  	_ =	shalt  }
0x5d: {  	_ =	shalt  }
0x5e: {  	_ =	shalt  }
0x5f: {  	_ =	shalt  }
0x60: {  	_ =	shalt  }
0x61: {  	_ =	shalt  }
0x62: {  	_ =	shalt  }
0x63: {  	_ =	shalt  }
0x64: {  	_ =	shalt  }
0x65: {  	_ =	shalt  }
0x66: {  	_ =	shalt  }
0x67: {  	_ =	shalt  }
0x68: {  	_ =	shalt  }
0x69: {  	_ =	shalt  }
0x6a: {  	_ =	shalt  }
0x6b: {  	_ =	shalt  }
0x6c: {  	_ =	shalt  }
0x6d: {  	_ =	shalt  }
0x6e: {  	_ =	shalt  }
0x6f: {  	_ =	shalt  }
0x70: {  	_ =	shalt  }
0x71: {  	_ =	shalt  }
0x72: {  	_ =	shalt  }
0x73: {  	_ =	shalt  }
0x74: {  	_ =	shalt  }
0x75: {  	_ =	shalt  }
0x76: {  	_ =	shalt  }
0x77: {  	_ =	shalt  }
0x78: {  	_ =	shalt  }
0x79: {  	_ =	shalt  }
0x7a: {  	_ =	shalt  }
0x7b: {  	_ =	shalt  }
0x7c: {  	_ =	shalt  }
0x7d: {  	_ =	shalt  }
0x7e: {  	_ =	shalt  }
0x7f: {  	_ =	shalt  }
0x80: {  	_ =	shalt  }
0x81: {  	_ =	shalt  }
0x82: {  	_ =	shalt  }
0x83: {  	_ =	shalt  }
0x84: {  	_ =	shalt  }
0x85: {  	_ =	shalt  }
0x86: {  	_ =	shalt  }
0x87: {  	_ =	shalt  }
.Lfunc_end0:
.L_simem_size_0:
called_computation.3_lowered:
.L_overlay_start_0:
0x88: {  	s2 =	sld [smem:$0x3FD9]  }
0x89: {  	s3 =	sld [smem:$0x3FFE];
	_ =	sdelay $0x1  }
0x8a: {  	s1 =	srdreg.scid  }
0x8b: {  	s0 =	sand.u32 $0x1, s1  }
0x8c: {  	s16 =	sshll.u32 s0, $0xA;
	s2 =	sadd.s32 s3, s2  }
0x8d: {  	s2 =	sadd.s32 s2, s16  }
0x8e: {  	[smem:$0x3FC2] =	sst s2  }
0x8f: {  	_ = 	snop  }
0x90: {  	(tm) =	ssettm $0x1  }
0x91: {  	s17 =	sld [smem:$0x3FFB];
	_ =	sdelay $0x3  }
0x92: {  	_ =	strace s17  }
0x93: {  	s2 =	sld [smem:$0x3FFC];
	_ =	sdelay $0x3  }
0x94: {  	_ =	strace s2  }
0x95: {  	s2 =	sld [smem:$0x3FFD];
	_ =	sdelay $0x3  }
0x96: {  	_ =	strace s2  }
0x97: {  	_ =	strace $0x8FFFFFFF  }
0x98: {  	s18 =	sld [smem:$0x3FDB];
	_ =	sdelay $0x1  }
0x99: {  	s19 =	simm.s32 $_scs_section_size  }
0x9a: {  	s4 =	simm.s32 $_size__tile_overlayer_lowered;
	s5 =	simm.s32 $_tile_overlayer_lowered  }
0x9b: {  	s22 =	simm.s32 $0x1BFF;
	s21 =	sshll.u32 s5, $0x1;
	s2 =	sadd.s32 s19, s18  }
0x9c: {  	s6 =	simm.s32 $0x0;
	s20 =	sshll.u32 s4, $0x1;
	s4 =	sadd.s32 s21, s2  }
0x9d: {  	[timem:s6], [sflag:s22] =	dma.local [hbm:s4], s20  }
0x9e: {  	_ =	swait.ge [sflag:s22], s20  }
0x9f: {  	s3 =	ssub.s32 $0x0, s20;
	[sflag:s22] =	ssyncset.done $0x0  }
0xa0: {  	[sflag:s22] =	ssyncadd.s32 s3;
	_ =	sdelay $0x1  }
0xa1: {  	s23 =	simm.s32 $0x1B8B  }
0xa2: {  	_ =	swait.ge [sflag:s23], $0x1  }
0xa3: {  	[sflag:s23] =	ssyncset.done $0x0  }
0xa4: {  	s25 =	simm.s32 $0x1B8E;
	s24 =	sld [smem:$0x3FFE];
	[sflag:s23] =	ssyncadd.s32 $0xFFFFFFFF  }
0xa5: {  	s26 =	simm.s32 $execute0_lowered;
	[smem:$0x3FD2] =	sst s25  }
0xa6: {  	s4 =	sshll.u32 s26, $0x1;
	_ =	strace $0x8000004F;
	[dreg:$0x1] =	wrdreg $0xFFFFFFFF  }
0xa7: {  	s28 =	simm.s32 $_size_execute0_lowered;
	s2 =	sadd.s32 s2, s4;
	[dreg:$0x0] =	wrdreg $0x0  }
0xa8: {  	s4 =	sshll.u32 s28, $0x1;
	[dreg:$0x2] =	wrdreg s2  }
0xa9: {  	[dreg:$0x3] =	wrdreg s4  }
0xaa: {  	[dreg:$0x4] =	wrdreg $0xC0  }
0xab: {  	_ =	task [dreg:s6], $0x5FFFF  }
0xac: {  	[dreg:$0x1] =	wrdreg $0xFFFFFFFF  }
0xad: {  	[dreg:$0x0] =	wrdreg $0x60  }
0xae: {  	[dreg:$0x2] =	wrdreg s24  }
0xaf: {  	[dreg:$0x3] =	wrdreg $0x91000  }
0xb0: {  	[dreg:$0x4] =	wrdreg $0x9  }
0xb1: {  	_ =	task.clear_ibuf [dreg:s6], $0x5FFFF;
	_ =	strace $0x9000004F  }
0xb2: {  	s29 =	simm.s32 $0x9;
	_ =	strace $0x80000051  }
0xb3: {  	_ =	swait.ge [sflag:s29], $0x1  }
0xb4: {  	[sflag:s29] =	ssyncadd.s32 $0xFFFFFFFF  }
0xb5: {  	_ =	strace $0x90000051  }
0xb6: {  	_ =	sfence  }
0xb7: {  	s30 =	sld [smem:$0x0];
	_ =	sdelay $0x2  }
0xb8: {  	s31 =	sshll.u32 s1, $0xD;
	s1 =	sshrl.u32 s1, $0x2  }
0xb9: {  	s3 =	sand.u32 $0x4000, s31;
	s1 =	sadd.s32 s1, s30  }
0xba: {  	s0 =	sor.u32 s3, s0;
	s1 =	sshll.u32 s1, $0x11  }
0xbb: {  	s0 =	sor.u32 s1, s0  }
0xbc: {  	s0 =	sadd.s32 $0x8F2B, s0  }
0xbd: {  	[sflag:s0] =	ssyncadd.remote.s32 $0x1  }
0xbe: {  	_ =	sfence.sel $0xFFFF  }
0xbf: {  	[dreg:$0x0] =	wrdreg $0xFFFFFFFF;
	(pc) =	sbr.abs _section_cstart, $3  }
0xc0: {  	[dreg:$0x1] =	wrdreg $0xFFFFFFFF  }
0xc1: {  	_ =	task.clear_ibuf [dreg:s6], $0x2FFFF;
	_ =	strace $0x9FFFFFFF  }
0xc2: {  	(tm) =	ssettm $0x7FFFFFFF  }
0xc3: {  	_ =	shalt  }
tec
execute0_lowered:
.L_overlay_start_1:
0x0: {  	(tag) =	ssettag $0x1  }
0x1: {  	s0 =	srdreg.scid;
	s6 =	rddreg [dreg:$0x0]  }
0x2: {  	s2 =	rddreg [dreg:$0x1];
	s3 =	simm.s32 $0x0;
	s18 =	simm.s32 $0x6900  }
0x3: {  	s19 =	simm.s32 $0x1;
	s22 =	simm.s32 $0x0;
	s9 =	sand.u32 $0x1, s0  }
0x4: {  	s0 =	stileid.u32;
	[smem:$0x7FF] =	sst s3;
	s11 =	sadd.s32 $0x41C00, s6  }
0x5: {  	s13 =	sadd.s32 $0xC2880, s2;
	s20 =	sadd.s32 $0xB9280, s2;
	s7 =	smul.u32 $0xCF80, s0  }
0x6: {  	s1 =	sshll.u32 s9, $0x4;
	s10 =	ssub.s32 $0x2, s9;
	s31 =	smul.u32 $0xC3500, s9  }
0x7: {  	s14 =	smul.u32 $0xC580, s0;
	p0 =	seq.s32 s9, $0x0;
	s9 =	simm.s32 $0x69  }
0x8: {  	s4 =	sor.u32 s0, s1;
	s1 =	rddreg [dreg:$0x2];
	_ =	strace $0x80000050  }
0x9: {  	s12 =	sshrl.u32 s10, $0x1;
	s9 =	simm.s32 @!p0 $0x35;
	p0 =	seq.s32 s0, $0xF  }
0xa: {  	s5 =	smul.u32 $0x690, s4;
	s4 =	sadd.s32 $0x2600, s6;
	s30 =	sshrl.u32 s7, $0x3  }
0xb: {  	s12 =	ssub.s32 s10, s12;
	s15 =	sadd.s32 s7, s2;
	s16 =	sadd.s32 s14, s31  }
0xc: {  	s17 =	sshrl.u32 s31, $0x3;
	s21 =	sadd.s32 s14, s2;
	s13 =	sshrl.u32 @p0 s13, $0x3  }
0xd: {  	s14 =	sshll.u32 @!p0 s0, $0x6;
	s20 =	sshrl.u32 @p0 s20, $0x3;
	s16 =	sshrl.u32 s16, $0x3  }
0xe: {  	s12 =	smax.u32 s12, $0x1;
	s14 =	sor.u32 @!p0 $0x1C02, s14;
	s15 =	sshrl.u32 @!p0 s15, $0x3  }
0xf: {  	s21 =	sshrl.u32 @!p0 s21, $0x3;
	s8 =	sadd.s32 s5, s6;
	s5 =	sadd.s32 s30, s6  }
0x10: {  	s6 =	sadd.s32 $0x40510, s6;
	s10 =	sadd.s32 s11, s16;
	s11 =	sadd.s32 s11, s17  }
0x11: {  	s16 =	simm.s32 $0x2;
	s17 =	simm.s32 $0x80;
	s5 =	sadd.s32 $0x28000, s5  }
0x12: {  	s7 =	sadd.s32 $0x7FC00, s8;
	s8 =	sadd.s32 $0x72A00, s8;
	s11 =	sadd.s32 $0x17250, s11  }
.LBB2_1:
0x13: {  	s25 =	simm.s32 @p0 $0x1FC2;
	s24 =	simm.s32 @p0 $0x2  }
0x14: {  	[spmem:s13], [sflag:s25] =	dma.local @p0 [hbm:s6], $0x1590  }
0x15: {  	_ =	swait.ge @p0 [sflag:s24], $0x1590  }
0x16: {  	[sflag:s24] =	ssyncset.done @p0 $0x0  }
0x17: {  	s23 =	simm.s32 @!p0 $0x2;
	[sflag:s24] =	ssyncadd.s32 @p0 $0xFFFFEA70  }
0x18: {  	[spmem:s15], [sflag:s14] =	dma.local @!p0 [hbm:s5], $0x19F0  }
0x19: {  	_ =	swait.ge @!p0 [sflag:s23], $0x19F0  }
0x1a: {  	[sflag:s23] =	ssyncset.done @!p0 $0x0  }
0x1b: {  	[sflag:s23] =	ssyncadd.s32 @!p0 $0xFFFFE610  }
0x1c: {  	[tilespmem:s3], [sflag:$0x2] =	stream.linear.gather [hbm4b:s7+s3], $0x3480, $0x38;
	[tilespmem:$0x15E50] =	vst v63  }
0x1d: {  	_ =	swait.ge [sflag:s16], $0x3480  }
0x1e: {  	[sflag:s16] =	ssyncset.done $0x0  }
0x1f: {  	s26 =	simm.s32 $0x3480;
	[sflag:s16] =	ssyncadd.s32 $0xFFFFCB80  }
0x20: {  	[tilespmem:s26], [sflag:$0x2] =	stream.linear.gather [hbm4b:s8+s3], $0x3480, $0x38;
	[tilespmem:$0x15E50] =	vst v63  }
0x21: {  	_ =	swait.ge [sflag:s16], $0x3480  }
0x22: {  	[sflag:s16] =	ssyncset.done $0x0  }
0x23: {  	[sflag:s16] =	ssyncadd.s32 $0xFFFFCB80  }
0x24: {  	[bflag:$0x0] =	sbarrier.arrive $0xFFFF  }
0x25: {  	[tilespmem:s18], [sflag:$0x1] =	stream.indirect.gather [hbm4b:s4+s17], $0x50, s3, s17, $0xb8;
	[tilespmem:$0x15E50] =	vst v63  }
0x26: {  	p1 =	sne.s32 s9, $0x1;
	_ =	swait.ge [sflag:s19], $0x2800  }
.Ltmp0:
0x27: {  	[sflag:s19] =	ssyncset.done $0x0;
	(pc) =	sbr.rel @!p1 .LBB2_3-.Ltmp0, $4  }
0x28: {  	[sflag:s19] =	ssyncadd.s32 $0xFFFFD800  }
0x29: {  	[spmem:s2] =	stream.indirect.scatter.add.f32 [tilespmem:s18], [sflag:$0x2], $0x50, s26, s17, $0xb8;
	[tilespmem:$0x15E50] =	vst v63  }
0x2a: {  	_ =	swait.ge [sflag:s16], $0x2800  }
0x2b: {  	s28 =	sadd.s32 $0xFFFFFFFF, s9;
	s29 =	simm.s32 $0x0;
	[sflag:s16] =	ssyncset.done $0x0  }
.LBB2_2:
0x2c: {  	[sflag:s16] =	ssyncadd.s32 $0xFFFFD800;
	s29 =	sadd.s32 $0x80, s29;
	s26 =	sadd.s32 $0x80, s26  }
0x2d: {  	[tilespmem:s18], [sflag:$0x1] =	stream.indirect.gather [hbm4b:s4+s17], $0x50, s29, s17, $0xb8;
	[tilespmem:$0x15E50] =	vst v63  }
0x2e: {  	p1 =	sne.s32 s28, $0x1;
	s28 =	sadd.s32 $0xFFFFFFFF, s28;
	_ =	swait.ge [sflag:s19], $0x2800  }
.Ltmp1:
0x2f: {  	[sflag:s19] =	ssyncset.done $0x0;
	(pc) =	sbr.rel @p1 .LBB2_2-.Ltmp1, $4  }
0x30: {  	[sflag:s19] =	ssyncadd.s32 $0xFFFFD800  }
0x31: {  	[spmem:s2] =	stream.indirect.scatter.add.f32 [tilespmem:s18], [sflag:$0x2], $0x50, s26, s17, $0xb8;
	[tilespmem:$0x15E50] =	vst v63  }
0x32: {  	_ =	swait.ge [sflag:s16], $0x2800  }
0x33: {  	[sflag:s16] =	ssyncset.done $0x0  }
.LBB2_3:
0x34: {  	[sflag:s16] =	ssyncadd.s32 $0xFFFFD800  }
0x35: {  	[bflag:$0x0] =	sbarrier.arrive $0xFFFF  }
0x36: {  	[hbm:s11], [sflag:s25] =	dma.local @p0 [spmem:s20], $0x1450  }
0x37: {  	s22 =	sadd.s32 $0x1, s22;
	_ =	swait.ge @p0 [sflag:s24], $0x1450  }
0x38: {  	p1 =	sne.s32 s22, s12;
	[sflag:s24] =	ssyncset.done @p0 $0x0  }
.Ltmp2:
0x39: {  	[sflag:s24] =	ssyncadd.s32 @p0 $0xFFFFEBB0;
	(pc) =	sbr.rel @p1 .LBB2_1-.Ltmp2, $4  }
0x3a: {  	[hbm:s10], [sflag:s14] =	dma.local @!p0 [spmem:s21], $0x18B0  }
0x3b: {  	_ =	swait.ge @!p0 [sflag:s23], $0x18B0  }
0x3c: {  	[sflag:s23] =	ssyncset.done @!p0 $0x0  }
0x3d: {  	[sflag:s23] =	ssyncadd.s32 @!p0 $0xFFFFE750  }
0x3e: {  	_ =	sfence.sel $0x180000  }
0x3f: {  	[bflag:$0x0] =	sbarrier.arrive $0xFFFF  }
0x40: {  	p0 =	sne.s32 s0, $0x0;
	_ =	strace $0x90000050  }
0x41: {  	s0 =	sadd.s32 @!p0 $0x100000, s1;
	[bflag:$0x2] =	sbarrier.arrive $0xFFFF  }
0x42: {  	[sflag:s0] =	ssyncadd.tile.s32 @!p0 $0x1;
	_ =	shalt  }
.Lfunc_end2:
_tile_overlayer_lowered:
.L_overlay_start_2:
0x43: {  	(tag) =	ssettag $0x2  }
0x44: {  	s0 =	rddreg [dreg:$0x0];
	s2 =	stileid.u32  }
0x45: {  	s1 =	rddreg [dreg:$0x1];
	p0 =	sne.s32 s2, $0x0  }
0x46: {  	s3 =	rddreg [dreg:$0x2];
	[bflag:$0x3] =	sbarrier.arrive $0xFFFF;
	s2 =	simm.s32 @!p0 $0x1C02  }
0x47: {  	[timem:s3], [sflag:s2] =	dma.local @!p0 [hbm:s0], s1  }
0x48: {  	s0 =	simm.s32 @!p0 $0x2  }
0x49: {  	_ =	swait.ge @!p0 [sflag:s0], s1  }
0x4a: {  	s1 =	ssub.s32 @!p0 $0x0, s1;
	[sflag:s0] =	ssyncset.done @!p0 $0x0  }
0x4b: {  	[sflag:s0] =	ssyncadd.s32 @!p0 s1  }
0x4c: {  	[bflag:$0x3] =	sbarrier.arrive $0xFFFF  }
0x4d: {  	_ =	shalt  }

</sc_bundles>
